<compile_context>
chip_gen: v7x
topology: tpu7x:2x2x1
jax: 0.10.2.dev20260603
libtpu: 0.0.44.dev20260713+nightly
codegen_flags: <defaults>
</compile_context>

<pallas_src>
import functools

import jax
import jax.numpy as jnp
from jax import lax
from jax.experimental import pallas as pl
from jax.experimental.pallas import tpu as pltpu
from jax.experimental.pallas import tpu_sc as plsc

_C = 128
_SB = 8
_EPS = 1e-5


def _sc_message_pass(xk, ep, hi2, n_cols, gpt, rg):
    n, d = xk.shape
    fl_rows = (n // 16) // 8 * 8
    tail0 = fl_rows * 16
    hflat = n * n_cols

    mesh = plsc.VectorSubcoreMesh(core_axis_name="c", subcore_axis_name="s")

    @functools.partial(
        pl.kernel,
        out_type=(
            jax.ShapeDtypeStruct((2, n, d), jnp.float32),
            jax.ShapeDtypeStruct((2, hflat), jnp.float32),
        ),
        mesh=mesh,
        scratch_types=(
            pltpu.VMEM((2, _SB, _C), jnp.int32),
            pltpu.VMEM((2, _SB, _C), jnp.int32),
            pltpu.VMEM((2, _SB, _C), jnp.int32),
            pltpu.VMEM((2, _C, d), jnp.float32),
            pltpu.VMEM((_C,), jnp.float32),
            pltpu.VMEM((_C,), jnp.float32),
            pltpu.VMEM_SHARED((n, d), jnp.float32),
            pltpu.VMEM_SHARED((hflat,), jnp.float32),
            pltpu.SemaphoreType.DMA((2,)),
            pltpu.SemaphoreType.DMA((2,)),
            pltpu.SemaphoreType.DMA((2,)),
            pltpu.SemaphoreType.DMA,
        ),
    )
    def run(x_hbm, ep_hbm, hi2_hbm, zr_hbm, zh_hbm, pos_hbm, neg_hbm,
            p_hbm, h_hbm,
            src_i, dst_i, hid_i, bufs_v, pos_v, neg_v, acc_sh, hist_sh,
            gsem, ssem, isem, hsem):
        c = lax.axis_index("c")
        s = lax.axis_index("s")
        rbase = s * gpt

        pltpu.sync_copy(pos_hbm, pos_v)
        pltpu.sync_copy(neg_hbm, neg_v)

        z0 = bufs_v.at[0]
        pltpu.sync_copy(zr_hbm, z0)
        zb = s * fl_rows
        nchunks = (fl_rows + _C - 1) // _C
        for k in range(nchunks):
            m = min(_C, fl_rows - k * _C)
            pltpu.sync_copy(z0.at[pl.ds(0, m)],
                            acc_sh.at[pl.ds(zb + k * _C, m)])

        @pl.when(s == 15)
        def _zero_tail():
            left = n - tail0
            off = tail0
            while left > 0:
                mm = min(_C, left)
                pltpu.sync_copy(z0.at[pl.ds(0, mm)],
                                acc_sh.at[pl.ds(off, mm)])
                off += mm
                left -= mm

        @pl.when(s == 0)
        def _zero_hist():
            pltpu.sync_copy(zh_hbm, hist_sh)

        plsc.subcore_barrier()

        pltpu.sync_copy(ep_hbm.at[c, pl.ds(rbase, _SB)], src_i.at[0])
        pltpu.sync_copy(ep_hbm.at[1 - c, pl.ds(rbase, _SB)], dst_i.at[0])
        pltpu.sync_copy(hi2_hbm.at[c, pl.ds(rbase, _SB)], hid_i.at[0])
        pltpu.async_copy(x_hbm.at[src_i.at[0, 0]], bufs_v.at[0], gsem.at[0])

        def body(g, carry):
            sb = g // _SB
            pos = g - sb * _SB
            slot = lax.rem(sb, 2)
            b = lax.rem(g, 2)
            gg = rbase + g

            @pl.when(jnp.logical_and(pos == 0,
                                     jnp.logical_and(g + _SB < gpt,
                                                     gg + _SB < rg)))
            def _prefetch():
                nslot = 1 - slot
                nrow = rbase + (sb + 1) * _SB
                pltpu.async_copy(ep_hbm.at[c, pl.ds(nrow, _SB)],
                                 src_i.at[nslot], isem.at[nslot])
                pltpu.async_copy(ep_hbm.at[1 - c, pl.ds(nrow, _SB)],
                                 dst_i.at[nslot], isem.at[nslot])
                pltpu.async_copy(hi2_hbm.at[c, pl.ds(nrow, _SB)],
                                 hid_i.at[nslot], isem.at[nslot])

            @pl.when(jnp.logical_and(g + 1 < gpt, gg + 1 < rg))
            def _next_gather():
                bn = 1 - b

                @pl.when(g > 0)
                def _wait_prev_scatter():
                    pltpu.make_async_copy(zr_hbm, bufs_v.at[bn],
                                          ssem.at[bn]).wait()

                gn = g + 1
                sbn = gn // _SB
                posn = gn - sbn * _SB
                slotn = lax.rem(sbn, 2)

                @pl.when(posn == 0)
                def _wait_idx():
                    for _ in range(3):
                        pltpu.make_async_copy(ep_hbm.at[c, pl.ds(0, _SB)],
                                              src_i.at[slotn],
                                              isem.at[slotn]).wait()

                pltpu.async_copy(x_hbm.at[src_i.at[slotn, posn]],
                                 bufs_v.at[bn], gsem.at[bn])

            @pl.when(gg < rg)
            def _process():
                pltpu.make_async_copy(x_hbm.at[src_i.at[slot, pos]],
                                      bufs_v.at[b], gsem.at[b]).wait()
                pltpu.async_copy(bufs_v.at[b], acc_sh.at[dst_i.at[slot, pos]],
                                 ssem.at[b], add=True)

                @pl.when(c == 0)
                def _pos_hist():
                    pltpu.async_copy(pos_v, hist_sh.at[hid_i.at[slot, pos]],
                                     hsem, add=True)

                @pl.when(c == 1)
                def _neg_hist():
                    pltpu.async_copy(neg_v, hist_sh.at[hid_i.at[slot, pos]],
                                     hsem, add=True)

            return carry

        lax.fori_loop(0, gpt, body, 0)
        for b in range(2):
            pltpu.make_async_copy(zr_hbm, bufs_v.at[b], ssem.at[b]).wait()
        nreal = jnp.clip(rg - rbase, 0, gpt)

        def _drain(i, carry):
            pltpu.make_async_copy(pos_hbm, pos_v, hsem).wait()
            return carry

        lax.fori_loop(0, nreal, _drain, 0)
        plsc.subcore_barrier()

        fb = s * fl_rows
        pltpu.sync_copy(acc_sh.at[pl.ds(fb, fl_rows)],
                        p_hbm.at[c, pl.ds(fb, fl_rows)])
        pltpu.sync_copy(hist_sh.at[pl.ds(fb * n_cols, fl_rows * n_cols)],
                        h_hbm.at[c, pl.ds(fb * n_cols, fl_rows * n_cols)])

        @pl.when(s == 15)
        def _flush_tail():
            pltpu.sync_copy(acc_sh.at[pl.ds(tail0, n - tail0)],
                            p_hbm.at[c, pl.ds(tail0, n - tail0)])
            pltpu.sync_copy(
                hist_sh.at[pl.ds(tail0 * n_cols, (n - tail0) * n_cols)],
                h_hbm.at[c, pl.ds(tail0 * n_cols, (n - tail0) * n_cols)])

    zr = jnp.zeros((_C, d), jnp.float32)
    zh = jnp.zeros((hflat,), jnp.float32)
    pos1 = jnp.ones((_C,), jnp.float32)
    neg1 = jnp.full((_C,), -1.0, jnp.float32)
    return run(xk, ep, hi2, zr, zh, pos1, neg1)


def _tc_prepass(x, e2, rl2, kernels, bn_gamma, bn_beta, nrel, rpad):
    n, d = x.shape
    rg = e2.shape[1]

    def body(x_ref, e_ref, rl_ref, k_ref, g_ref, b_ref,
             o_ref, oep_ref, ohi_ref):
        xv = x_ref[...]
        mean = jnp.mean(xv, axis=0)
        xc = xv - mean[None, :]
        var = jnp.mean(xc * xc, axis=0)
        sc = g_ref[0, :] / jnp.sqrt(var + _EPS)
        o_ref[...] = (xc * sc[None, :] + b_ref[0, :][None, :]) * k_ref[0, :]
        ev = e_ref[...]
        rl = rl_ref[...]
        zp = jnp.zeros((2, rpad, _C), jnp.int32)
        oep_ref[...] = jnp.concatenate([ev, zp], axis=1)
        hi = jnp.concatenate([ev[1:2], ev[0:1]], axis=0) * nrel + rl
        ohi_ref[...] = jnp.concatenate([hi, zp], axis=1)

    return pl.pallas_call(
        body,
        out_shape=(jax.ShapeDtypeStruct((n, d), jnp.float32),
                   jax.ShapeDtypeStruct((2, rg + rpad, _C), jnp.int32),
                   jax.ShapeDtypeStruct((2, rg + rpad, _C), jnp.int32)),
    )(x, e2, rl2, kernels, bn_gamma, bn_beta)


def _tc_combine(xk, p, h, r, kernels, escal):
    n, d = xk.shape
    nc = h.shape[2]
    bs = 2000
    grid = n // bs

    def body(x_ref, p_ref, h_ref, r_ref, k_ref, es_ref, o_ref):
        rk = r_ref[...] * k_ref[0, :][None, :]
        pv = p_ref[0] + p_ref[1]
        hv = h_ref[0] + h_ref[1]
        relpart = jnp.dot(hv, rk, preferred_element_type=jnp.float32,
                          precision=lax.Precision.HIGHEST)
        num = pv + relpart + x_ref[...]
        esv = es_ref[...]
        iot = (lax.broadcasted_iota(jnp.int32, (bs, 1), 0)
               + pl.program_id(0) * bs)
        du = jnp.ones((bs, 1), jnp.float32)
        for i in range(3):
            ai = esv[2 * i:2 * i + 1, :]
            bi = esv[2 * i + 1:2 * i + 2, :]
            inc = (ai != bi).astype(jnp.float32)
            du = du + inc * ((iot == ai).astype(jnp.float32)
                             + (iot == bi).astype(jnp.float32))
        o_ref[...] = num / du

    return pl.pallas_call(
        body,
        grid=(grid,),
        in_specs=[
            pl.BlockSpec((bs, d), lambda i: (i, 0)),
            pl.BlockSpec((2, bs, d), lambda i: (0, i, 0)),
            pl.BlockSpec((2, bs, nc), lambda i: (0, i, 0)),
            pl.BlockSpec(r.shape, lambda i: (0, 0)),
            pl.BlockSpec(kernels.shape, lambda i: (0, 0)),
            pl.BlockSpec(escal.shape, lambda i: (0, 0)),
        ],
        out_specs=pl.BlockSpec((bs, d), lambda i: (i, 0)),
        out_shape=jax.ShapeDtypeStruct((n, d), jnp.float32),
    )(xk, p, h, r, kernels, escal)


def kernel(x, edges, rels, r, kernels, bn_gamma, bn_beta):
    n, d = x.shape
    e = edges.shape[1]
    nrel = r.shape[0]
    rg = e // _C
    rpad = -(-rg // _SB) * _SB - rg
    gpt = -(-rg // (16 * _SB)) * _SB
    e2 = edges.astype(jnp.int32).reshape(2, rg, _C)
    rl2 = rels.astype(jnp.int32).reshape(1, rg, _C)
    xk, ep, hi2 = _tc_prepass(x, e2, rl2, kernels, bn_gamma.reshape(1, d),
                              bn_beta.reshape(1, d), nrel, rpad)
    p, hf = _sc_message_pass(xk, ep, hi2, nrel, gpt, rg)
    h = hf.reshape(2, n, nrel)
    escal = jnp.stack([e2[0, 0, 0], e2[0, 0, 2], rl2[0, 0, 0], rl2[0, 0, 2],
                       e2[1, 0, 0], e2[1, 0, 2],
                       jnp.zeros((), jnp.int32), jnp.zeros((), jnp.int32)])
    return _tc_combine(xk, p, h, r, kernels, escal.reshape(8, 1))

# --- scband reference (transcript-rebuilt; emitter-appended) ---
"""Pipeline reference for scband-vrgcnconv-34394098106414 (READ-ONLY COPY).

The authoritative reference and input builder live on the scoring server;
editing this copy changes nothing except your own understanding.
"""

import jax, jax.numpy as jnp
import numpy as np


def setup_inputs(seed: int = 0) -> dict:
    key = jax.random.key(seed)
    k1, k2, k3, k4 = jax.random.split(key, 4)
    N, E, D, R = 10000, 320000, 128, 16
    x = jax.random.normal(k1, (N, D), dtype=jnp.float32)
    edges = jax.random.randint(k2, (2, E), 0, N, dtype=jnp.int64)
    rels = jax.random.randint(k3, (E,), 0, R, dtype=jnp.int64)
    r = jax.random.normal(k4, (R, D), dtype=jnp.float32)
    # learned parameters per module __init__ (dim=128)
    kernels = jnp.ones((1, D), dtype=jnp.float32)
    bn_gamma = jnp.ones((D,), dtype=jnp.float32)
    bn_beta = jnp.zeros((D,), dtype=jnp.float32)
    return {"x": x, "edges": edges, "rels": rels, "r": r,
            "kernels": kernels, "bn_gamma": bn_gamma, "bn_beta": bn_beta}


def reference(x, edges, rels, r, kernels, bn_gamma, bn_beta):
    eps = 1e-5
    # BatchNorm1d in training mode: batch mean / biased variance
    mean = jnp.mean(x, axis=0)
    var = jnp.var(x, axis=0)
    xn = (x - mean) / jnp.sqrt(var + eps) * bn_gamma + bn_beta
    # dropout_rate = 0.0 -> no dropout
    xk = xn * kernels
    rk = r * kernels
    head_embedding = jnp.take(xk, edges[0], axis=0)
    relation_embedding = jnp.take(rk, rels, axis=0)
    tail_embedding = jnp.take(xk, edges[1], axis=0)
    receiver_embedding = head_embedding + relation_embedding
    sender_embedding = tail_embedding - relation_embedding
    e = x.shape[0]
    triples = jnp.stack((edges[0], rels, edges[1]), axis=0)
    # faithful replication of get_degree: iterates over the 3 ROWS of triples,
    # comparing element 0 vs element 2 of each row
    du = jnp.ones((e,), dtype=jnp.float32)
    for i in range(3):
        tri = triples[i]
        inc = jnp.where(tri[0] != tri[2], 1.0, 0.0).astype(jnp.float32)
        du = du.at[tri[0]].add(inc)
        du = du.at[tri[2]].add(inc)
    du = du.reshape(-1, 1)
    # sparse mm M_in @ receiver == scatter-add by tail (triples[2])
    sum_in = jax.ops.segment_sum(receiver_embedding, triples[2], num_segments=e)
    # sparse mm M_out @ sender == scatter-add by head (triples[0])
    sum_out = jax.ops.segment_sum(sender_embedding, triples[0], num_segments=e)
    outputs = (1.0 / du) * (sum_out + sum_in + xk)
    return outputs

if __name__ == "__main__":
    import jax
    _d = setup_inputs()
    print(jax.jit(kernel)(*tuple(_d.values())))

</pallas_src>

<mosaic_0001>
#map = affine_map<(d0, d1) -> (0, 0)>
#map1 = affine_map<(d0, d1) -> (0, 0, 0)>
#map2 = affine_map<(d0, d1) -> (0)>
module attributes {stable_mosaic.version = 14 : i64} {
  func.func @run(%arg0: i32, %arg1: i32, %arg2: memref<10000x128xf32, #tpu.memory_space<hbm>>, %arg3: memref<2x2504x128xi32, #tpu.memory_space<hbm>>, %arg4: memref<2x2504x128xi32, #tpu.memory_space<hbm>>, %arg5: memref<128x128xf32, #tpu.memory_space<hbm>>, %arg6: memref<160000xf32, #tpu.memory_space<hbm>>, %arg7: memref<128xf32, #tpu.memory_space<hbm>>, %arg8: memref<128xf32, #tpu.memory_space<hbm>>, %arg9: memref<2x10000x128xf32, #tpu.memory_space<hbm>>, %arg10: memref<2x160000xf32, #tpu.memory_space<hbm>>, %arg11: memref<2x8x128xi32, #tpu.memory_space<vmem>>, %arg12: memref<2x8x128xi32, #tpu.memory_space<vmem>>, %arg13: memref<2x8x128xi32, #tpu.memory_space<vmem>>, %arg14: memref<2x128x128xf32, #tpu.memory_space<vmem>>, %arg15: memref<128xf32, #tpu.memory_space<vmem>>, %arg16: memref<128xf32, #tpu.memory_space<vmem>>, %arg17: memref<10000x128xf32, #tpu.memory_space<vmem_shared>>, %arg18: memref<160000xf32, #tpu.memory_space<vmem_shared>>, %arg19: memref<2x!tpu.dma_semaphore, #tpu.memory_space<semaphore_mem>>, %arg20: memref<2x!tpu.dma_semaphore, #tpu.memory_space<semaphore_mem>>, %arg21: memref<2x!tpu.dma_semaphore, #tpu.memory_space<semaphore_mem>>, %arg22: memref<!tpu.dma_semaphore, #tpu.memory_space<semaphore_mem>>) attributes {dimension_semantics = [#tpu.dimension_semantics<core_parallel>, #tpu.dimension_semantics<subcore_parallel>], iteration_bounds = array<i64: 2, 16>, scalar_prefetch = 0 : i64, scratch_operands = 12 : i64, tpu.core_type = #tpu.core_type<sc_vector_subcore>, window_params = [{transform_indices = #map}, {transform_indices = #map1}, {transform_indices = #map1}, {transform_indices = #map}, {transform_indices = #map2}, {transform_indices = #map2}, {transform_indices = #map2}, {transform_indices = #map1}, {transform_indices = #map}]} {
    %mul3A = arith.constant 160 : i32
    %mul3A_0 = arith.muli %arg1, %mul3A : i32
    "tpu.region"() ({
      %run_scoped3A_96 = tpu.sem_alloc : memref<!tpu.dma_semaphore, #tpu.memory_space<semaphore_mem>>
      tpu.enqueue_dma source(%arg7 : memref<128xf32, #tpu.memory_space<hbm>>) target(%arg15 : memref<128xf32, #tpu.memory_space<vmem>>) target_semaphore(%run_scoped3A_96 : memref<!tpu.dma_semaphore, #tpu.memory_space<semaphore_mem>>)
      tpu.wait_dma2 semaphore(%run_scoped3A_96 : memref<!tpu.dma_semaphore, #tpu.memory_space<semaphore_mem>>) src(%arg7 : memref<128xf32, #tpu.memory_space<hbm>>) dst(%arg15 : memref<128xf32, #tpu.memory_space<vmem>>)
      tpu.yield
    }) : () -> ()
    "tpu.region"() ({
      %run_scoped3A_96 = tpu.sem_alloc : memref<!tpu.dma_semaphore, #tpu.memory_space<semaphore_mem>>
      tpu.enqueue_dma source(%arg8 : memref<128xf32, #tpu.memory_space<hbm>>) target(%arg16 : memref<128xf32, #tpu.memory_space<vmem>>) target_semaphore(%run_scoped3A_96 : memref<!tpu.dma_semaphore, #tpu.memory_space<semaphore_mem>>)
      tpu.wait_dma2 semaphore(%run_scoped3A_96 : memref<!tpu.dma_semaphore, #tpu.memory_space<semaphore_mem>>) src(%arg8 : memref<128xf32, #tpu.memory_space<hbm>>) dst(%arg16 : memref<128xf32, #tpu.memory_space<vmem>>)
      tpu.yield
    }) : () -> ()
    %run_scoped3A = arith.constant 0 : i32
    "tpu.region"() ({
      %run_scoped3A_96 = tpu.sem_alloc : memref<!tpu.dma_semaphore, #tpu.memory_space<semaphore_mem>>
      %dma_start3A_97 = arith.constant 0 : i32
      %dma_start3A_98 = arith.constant 0 : i32
      %dma_start3A_99 = tpu.memref_slice %arg14[%run_scoped3A, %dma_start3A_97, %dma_start3A_98] : memref<2x128x128xf32, #tpu.memory_space<vmem>> -> memref<1x128x128xf32, #tpu.memory_space<vmem>>
      %dma_start3A_100 = tpu.memref_squeeze %dma_start3A_99 : memref<1x128x128xf32, #tpu.memory_space<vmem>> -> memref<128x128xf32, #tpu.memory_space<vmem>>
      %dma_start3A_101 = arith.constant 0 : i32
      %dma_start3A_102 = arith.constant 0 : i32
      %dma_start3A_103 = tpu.memref_slice %arg14[%run_scoped3A, %dma_start3A_101, %dma_start3A_102] : memref<2x128x128xf32, #tpu.memory_space<vmem>> -> memref<1x128x128xf32, #tpu.memory_space<vmem>>
      %dma_start3A_104 = tpu.memref_squeeze %dma_start3A_103 : memref<1x128x128xf32, #tpu.memory_space<vmem>> -> memref<128x128xf32, #tpu.memory_space<vmem>>
      tpu.enqueue_dma source(%arg5 : memref<128x128xf32, #tpu.memory_space<hbm>>) target(%dma_start3A_104 : memref<128x128xf32, #tpu.memory_space<vmem>>) target_semaphore(%run_scoped3A_96 : memref<!tpu.dma_semaphore, #tpu.memory_space<semaphore_mem>>)
      %dma_wait3A_105 = arith.constant 0 : i32
      %dma_wait3A_106 = arith.constant 0 : i32
      %dma_wait3A_107 = tpu.memref_slice %arg14[%run_scoped3A, %dma_wait3A_105, %dma_wait3A_106] : memref<2x128x128xf32, #tpu.memory_space<vmem>> -> memref<1x128x128xf32, #tpu.memory_space<vmem>>
      %dma_wait3A_108 = tpu.memref_squeeze %dma_wait3A_107 : memref<1x128x128xf32, #tpu.memory_space<vmem>> -> memref<128x128xf32, #tpu.memory_space<vmem>>
      %dma_wait3A_109 = arith.constant 0 : i32
      %dma_wait3A_110 = arith.constant 0 : i32
      %dma_wait3A_111 = tpu.memref_slice %arg14[%run_scoped3A, %dma_wait3A_109, %dma_wait3A_110] : memref<2x128x128xf32, #tpu.memory_space<vmem>> -> memref<1x128x128xf32, #tpu.memory_space<vmem>>
      %dma_wait3A_112 = tpu.memref_squeeze %dma_wait3A_111 : memref<1x128x128xf32, #tpu.memory_space<vmem>> -> memref<128x128xf32, #tpu.memory_space<vmem>>
      tpu.wait_dma2 semaphore(%run_scoped3A_96 : memref<!tpu.dma_semaphore, #tpu.memory_space<semaphore_mem>>) src(%arg5 : memref<128x128xf32, #tpu.memory_space<hbm>>) dst(%dma_wait3A_112 : memref<128x128xf32, #tpu.memory_space<vmem>>)
      tpu.yield
    }) : () -> ()
    %mul3A_1 = arith.constant 624 : i32
    %mul3A_2 = arith.muli %arg1, %mul3A_1 : i32
    %add3A = arith.constant 0 : i32
    %add3A_3 = arith.addi %mul3A_2, %add3A : i32
    %run_scoped3A_4 = arith.constant 0 : i32
    "tpu.region"() ({
      %run_scoped3A_96 = tpu.sem_alloc : memref<!tpu.dma_semaphore, #tpu.memory_space<semaphore_mem>>
      %dma_start3A_97 = arith.constant 0 : i32
      %dma_start3A_98 = arith.constant 0 : i32
      %dma_start3A_99 = tpu.memref_slice %arg14[%run_scoped3A_4, %dma_start3A_97, %dma_start3A_98] : memref<2x128x128xf32, #tpu.memory_space<vmem>> -> memref<1x128x128xf32, #tpu.memory_space<vmem>>
      %dma_start3A_100 = tpu.memref_squeeze %dma_start3A_99 : memref<1x128x128xf32, #tpu.memory_space<vmem>> -> memref<128x128xf32, #tpu.memory_space<vmem>>
      %dma_start3A_101 = arith.constant 0 : i32
      %dma_start3A_102 = arith.constant 0 : i32
      %dma_start3A_103 = tpu.memref_slice %dma_start3A_100[%dma_start3A_101, %dma_start3A_102] : memref<128x128xf32, #tpu.memory_space<vmem>> -> memref<128x128xf32, #tpu.memory_space<vmem>>
      %dma_start3A_104 = arith.constant 0 : i32
      %dma_start3A_105 = tpu.memref_slice %arg17[%add3A_3, %dma_start3A_104] : memref<10000x128xf32, #tpu.memory_space<vmem_shared>> -> memref<128x128xf32, #tpu.memory_space<vmem_shared>>
      %dma_start3A_106 = arith.constant 0 : i32
      %dma_start3A_107 = tpu.memref_slice %arg17[%add3A_3, %dma_start3A_106] : memref<10000x128xf32, #tpu.memory_space<vmem_shared>> -> memref<128x128xf32, #tpu.memory_space<vmem_shared>>
      %dma_start3A_108 = arith.constant 0 : i32
      %dma_start3A_109 = arith.constant 0 : i32
      %dma_start3A_110 = tpu.memref_slice %arg14[%run_scoped3A_4, %dma_start3A_108, %dma_start3A_109] : memref<2x128x128xf32, #tpu.memory_space<vmem>> -> memref<1x128x128xf32, #tpu.memory_space<vmem>>
      %dma_start3A_111 = tpu.memref_squeeze %dma_start3A_110 : memref<1x128x128xf32, #tpu.memory_space<vmem>> -> memref<128x128xf32, #tpu.memory_space<vmem>>
      %dma_start3A_112 = arith.constant 0 : i32
      %dma_start3A_113 = arith.constant 0 : i32
      %dma_start3A_114 = tpu.memref_slice %dma_start3A_111[%dma_start3A_112, %dma_start3A_113] : memref<128x128xf32, #tpu.memory_space<vmem>> -> memref<128x128xf32, #tpu.memory_space<vmem>>
      tpu.enqueue_dma source(%dma_start3A_114 : memref<128x128xf32, #tpu.memory_space<vmem>>) target(%dma_start3A_107 : memref<128x128xf32, #tpu.memory_space<vmem_shared>>) target_semaphore(%run_scoped3A_96 : memref<!tpu.dma_semaphore, #tpu.memory_space<semaphore_mem>>)
      %dma_wait3A_115 = arith.constant 0 : i32
      %dma_wait3A_116 = arith.constant 0 : i32
      %dma_wait3A_117 = tpu.memref_slice %arg14[%run_scoped3A_4, %dma_wait3A_115, %dma_wait3A_116] : memref<2x128x128xf32, #tpu.memory_space<vmem>> -> memref<1x128x128xf32, #tpu.memory_space<vmem>>
      %dma_wait3A_118 = tpu.memref_squeeze %dma_wait3A_117 : memref<1x128x128xf32, #tpu.memory_space<vmem>> -> memref<128x128xf32, #tpu.memory_space<vmem>>
      %dma_wait3A_119 = arith.constant 0 : i32
      %dma_wait3A_120 = arith.constant 0 : i32
      %dma_wait3A_121 = tpu.memref_slice %dma_wait3A_118[%dma_wait3A_119, %dma_wait3A_120] : memref<128x128xf32, #tpu.memory_space<vmem>> -> memref<128x128xf32, #tpu.memory_space<vmem>>
      %dma_wait3A_122 = arith.constant 0 : i32
      %dma_wait3A_123 = tpu.memref_slice %arg17[%add3A_3, %dma_wait3A_122] : memref<10000x128xf32, #tpu.memory_space<vmem_shared>> -> memref<128x128xf32, #tpu.memory_space<vmem_shared>>
      %dma_wait3A_124 = arith.constant 0 : i32
      %dma_wait3A_125 = tpu.memref_slice %arg17[%add3A_3, %dma_wait3A_124] : memref<10000x128xf32, #tpu.memory_space<vmem_shared>> -> memref<128x128xf32, #tpu.memory_space<vmem_shared>>
      %dma_wait3A_126 = arith.constant 0 : i32
      %dma_wait3A_127 = arith.constant 0 : i32
      %dma_wait3A_128 = tpu.memref_slice %arg14[%run_scoped3A_4, %dma_wait3A_126, %dma_wait3A_127] : memref<2x128x128xf32, #tpu.memory_space<vmem>> -> memref<1x128x128xf32, #tpu.memory_space<vmem>>
      %dma_wait3A_129 = tpu.memref_squeeze %dma_wait3A_128 : memref<1x128x128xf32, #tpu.memory_space<vmem>> -> memref<128x128xf32, #tpu.memory_space<vmem>>
      %dma_wait3A_130 = arith.constant 0 : i32
      %dma_wait3A_131 = arith.constant 0 : i32
      %dma_wait3A_132 = tpu.memref_slice %dma_wait3A_129[%dma_wait3A_130, %dma_wait3A_131] : memref<128x128xf32, #tpu.memory_space<vmem>> -> memref<128x128xf32, #tpu.memory_space<vmem>>
      tpu.wait_dma2 semaphore(%run_scoped3A_96 : memref<!tpu.dma_semaphore, #tpu.memory_space<semaphore_mem>>) src(%dma_wait3A_132 : memref<128x128xf32, #tpu.memory_space<vmem>>) dst(%dma_wait3A_125 : memref<128x128xf32, #tpu.memory_space<vmem_shared>>)
      tpu.yield
    }) : () -> ()
    %add3A_5 = arith.constant 128 : i32
    %add3A_6 = arith.addi %mul3A_2, %add3A_5 : i32
    %run_scoped3A_7 = arith.constant 0 : i32
    "tpu.region"() ({
      %run_scoped3A_96 = tpu.sem_alloc : memref<!tpu.dma_semaphore, #tpu.memory_space<semaphore_mem>>
      %dma_start3A_97 = arith.constant 0 : i32
      %dma_start3A_98 = arith.constant 0 : i32
      %dma_start3A_99 = tpu.memref_slice %arg14[%run_scoped3A_7, %dma_start3A_97, %dma_start3A_98] : memref<2x128x128xf32, #tpu.memory_space<vmem>> -> memref<1x128x128xf32, #tpu.memory_space<vmem>>
      %dma_start3A_100 = tpu.memref_squeeze %dma_start3A_99 : memref<1x128x128xf32, #tpu.memory_space<vmem>> -> memref<128x128xf32, #tpu.memory_space<vmem>>
      %dma_start3A_101 = arith.constant 0 : i32
      %dma_start3A_102 = arith.constant 0 : i32
      %dma_start3A_103 = tpu.memref_slice %dma_start3A_100[%dma_start3A_101, %dma_start3A_102] : memref<128x128xf32, #tpu.memory_space<vmem>> -> memref<128x128xf32, #tpu.memory_space<vmem>>
      %dma_start3A_104 = arith.constant 0 : i32
      %dma_start3A_105 = tpu.memref_slice %arg17[%add3A_6, %dma_start3A_104] : memref<10000x128xf32, #tpu.memory_space<vmem_shared>> -> memref<128x128xf32, #tpu.memory_space<vmem_shared>>
      %dma_start3A_106 = arith.constant 0 : i32
      %dma_start3A_107 = tpu.memref_slice %arg17[%add3A_6, %dma_start3A_106] : memref<10000x128xf32, #tpu.memory_space<vmem_shared>> -> memref<128x128xf32, #tpu.memory_space<vmem_shared>>
      %dma_start3A_108 = arith.constant 0 : i32
      %dma_start3A_109 = arith.constant 0 : i32
      %dma_start3A_110 = tpu.memref_slice %arg14[%run_scoped3A_7, %dma_start3A_108, %dma_start3A_109] : memref<2x128x128xf32, #tpu.memory_space<vmem>> -> memref<1x128x128xf32, #tpu.memory_space<vmem>>
      %dma_start3A_111 = tpu.memref_squeeze %dma_start3A_110 : memref<1x128x128xf32, #tpu.memory_space<vmem>> -> memref<128x128xf32, #tpu.memory_space<vmem>>
      %dma_start3A_112 = arith.constant 0 : i32
      %dma_start3A_113 = arith.constant 0 : i32
      %dma_start3A_114 = tpu.memref_slice %dma_start3A_111[%dma_start3A_112, %dma_start3A_113] : memref<128x128xf32, #tpu.memory_space<vmem>> -> memref<128x128xf32, #tpu.memory_space<vmem>>
      tpu.enqueue_dma source(%dma_start3A_114 : memref<128x128xf32, #tpu.memory_space<vmem>>) target(%dma_start3A_107 : memref<128x128xf32, #tpu.memory_space<vmem_shared>>) target_semaphore(%run_scoped3A_96 : memref<!tpu.dma_semaphore, #tpu.memory_space<semaphore_mem>>)
      %dma_wait3A_115 = arith.constant 0 : i32
      %dma_wait3A_116 = arith.constant 0 : i32
      %dma_wait3A_117 = tpu.memref_slice %arg14[%run_scoped3A_7, %dma_wait3A_115, %dma_wait3A_116] : memref<2x128x128xf32, #tpu.memory_space<vmem>> -> memref<1x128x128xf32, #tpu.memory_space<vmem>>
      %dma_wait3A_118 = tpu.memref_squeeze %dma_wait3A_117 : memref<1x128x128xf32, #tpu.memory_space<vmem>> -> memref<128x128xf32, #tpu.memory_space<vmem>>
      %dma_wait3A_119 = arith.constant 0 : i32
      %dma_wait3A_120 = arith.constant 0 : i32
      %dma_wait3A_121 = tpu.memref_slice %dma_wait3A_118[%dma_wait3A_119, %dma_wait3A_120] : memref<128x128xf32, #tpu.memory_space<vmem>> -> memref<128x128xf32, #tpu.memory_space<vmem>>
      %dma_wait3A_122 = arith.constant 0 : i32
      %dma_wait3A_123 = tpu.memref_slice %arg17[%add3A_6, %dma_wait3A_122] : memref<10000x128xf32, #tpu.memory_space<vmem_shared>> -> memref<128x128xf32, #tpu.memory_space<vmem_shared>>
      %dma_wait3A_124 = arith.constant 0 : i32
      %dma_wait3A_125 = tpu.memref_slice %arg17[%add3A_6, %dma_wait3A_124] : memref<10000x128xf32, #tpu.memory_space<vmem_shared>> -> memref<128x128xf32, #tpu.memory_space<vmem_shared>>
      %dma_wait3A_126 = arith.constant 0 : i32
      %dma_wait3A_127 = arith.constant 0 : i32
      %dma_wait3A_128 = tpu.memref_slice %arg14[%run_scoped3A_7, %dma_wait3A_126, %dma_wait3A_127] : memref<2x128x128xf32, #tpu.memory_space<vmem>> -> memref<1x128x128xf32, #tpu.memory_space<vmem>>
      %dma_wait3A_129 = tpu.memref_squeeze %dma_wait3A_128 : memref<1x128x128xf32, #tpu.memory_space<vmem>> -> memref<128x128xf32, #tpu.memory_space<vmem>>
      %dma_wait3A_130 = arith.constant 0 : i32
      %dma_wait3A_131 = arith.constant 0 : i32
      %dma_wait3A_132 = tpu.memref_slice %dma_wait3A_129[%dma_wait3A_130, %dma_wait3A_131] : memref<128x128xf32, #tpu.memory_space<vmem>> -> memref<128x128xf32, #tpu.memory_space<vmem>>
      tpu.wait_dma2 semaphore(%run_scoped3A_96 : memref<!tpu.dma_semaphore, #tpu.memory_space<semaphore_mem>>) src(%dma_wait3A_132 : memref<128x128xf32, #tpu.memory_space<vmem>>) dst(%dma_wait3A_125 : memref<128x128xf32, #tpu.memory_space<vmem_shared>>)
      tpu.yield
    }) : () -> ()
    %add3A_8 = arith.constant 256 : i32
    %add3A_9 = arith.addi %mul3A_2, %add3A_8 : i32
    %run_scoped3A_10 = arith.constant 0 : i32
    "tpu.region"() ({
      %run_scoped3A_96 = tpu.sem_alloc : memref<!tpu.dma_semaphore, #tpu.memory_space<semaphore_mem>>
      %dma_start3A_97 = arith.constant 0 : i32
      %dma_start3A_98 = arith.constant 0 : i32
      %dma_start3A_99 = tpu.memref_slice %arg14[%run_scoped3A_10, %dma_start3A_97, %dma_start3A_98] : memref<2x128x128xf32, #tpu.memory_space<vmem>> -> memref<1x128x128xf32, #tpu.memory_space<vmem>>
      %dma_start3A_100 = tpu.memref_squeeze %dma_start3A_99 : memref<1x128x128xf32, #tpu.memory_space<vmem>> -> memref<128x128xf32, #tpu.memory_space<vmem>>
      %dma_start3A_101 = arith.constant 0 : i32
      %dma_start3A_102 = arith.constant 0 : i32
      %dma_start3A_103 = tpu.memref_slice %dma_start3A_100[%dma_start3A_101, %dma_start3A_102] : memref<128x128xf32, #tpu.memory_space<vmem>> -> memref<128x128xf32, #tpu.memory_space<vmem>>
      %dma_start3A_104 = arith.constant 0 : i32
      %dma_start3A_105 = tpu.memref_slice %arg17[%add3A_9, %dma_start3A_104] : memref<10000x128xf32, #tpu.memory_space<vmem_shared>> -> memref<128x128xf32, #tpu.memory_space<vmem_shared>>
      %dma_start3A_106 = arith.constant 0 : i32
      %dma_start3A_107 = tpu.memref_slice %arg17[%add3A_9, %dma_start3A_106] : memref<10000x128xf32, #tpu.memory_space<vmem_shared>> -> memref<128x128xf32, #tpu.memory_space<vmem_shared>>
      %dma_start3A_108 = arith.constant 0 : i32
      %dma_start3A_109 = arith.constant 0 : i32
      %dma_start3A_110 = tpu.memref_slice %arg14[%run_scoped3A_10, %dma_start3A_108, %dma_start3A_109] : memref<2x128x128xf32, #tpu.memory_space<vmem>> -> memref<1x128x128xf32, #tpu.memory_space<vmem>>
      %dma_start3A_111 = tpu.memref_squeeze %dma_start3A_110 : memref<1x128x128xf32, #tpu.memory_space<vmem>> -> memref<128x128xf32, #tpu.memory_space<vmem>>
      %dma_start3A_112 = arith.constant 0 : i32
      %dma_start3A_113 = arith.constant 0 : i32
      %dma_start3A_114 = tpu.memref_slice %dma_start3A_111[%dma_start3A_112, %dma_start3A_113] : memref<128x128xf32, #tpu.memory_space<vmem>> -> memref<128x128xf32, #tpu.memory_space<vmem>>
      tpu.enqueue_dma source(%dma_start3A_114 : memref<128x128xf32, #tpu.memory_space<vmem>>) target(%dma_start3A_107 : memref<128x128xf32, #tpu.memory_space<vmem_shared>>) target_semaphore(%run_scoped3A_96 : memref<!tpu.dma_semaphore, #tpu.memory_space<semaphore_mem>>)
      %dma_wait3A_115 = arith.constant 0 : i32
      %dma_wait3A_116 = arith.constant 0 : i32
      %dma_wait3A_117 = tpu.memref_slice %arg14[%run_scoped3A_10, %dma_wait3A_115, %dma_wait3A_116] : memref<2x128x128xf32, #tpu.memory_space<vmem>> -> memref<1x128x128xf32, #tpu.memory_space<vmem>>
      %dma_wait3A_118 = tpu.memref_squeeze %dma_wait3A_117 : memref<1x128x128xf32, #tpu.memory_space<vmem>> -> memref<128x128xf32, #tpu.memory_space<vmem>>
      %dma_wait3A_119 = arith.constant 0 : i32
      %dma_wait3A_120 = arith.constant 0 : i32
      %dma_wait3A_121 = tpu.memref_slice %dma_wait3A_118[%dma_wait3A_119, %dma_wait3A_120] : memref<128x128xf32, #tpu.memory_space<vmem>> -> memref<128x128xf32, #tpu.memory_space<vmem>>
      %dma_wait3A_122 = arith.constant 0 : i32
      %dma_wait3A_123 = tpu.memref_slice %arg17[%add3A_9, %dma_wait3A_122] : memref<10000x128xf32, #tpu.memory_space<vmem_shared>> -> memref<128x128xf32, #tpu.memory_space<vmem_shared>>
      %dma_wait3A_124 = arith.constant 0 : i32
      %dma_wait3A_125 = tpu.memref_slice %arg17[%add3A_9, %dma_wait3A_124] : memref<10000x128xf32, #tpu.memory_space<vmem_shared>> -> memref<128x128xf32, #tpu.memory_space<vmem_shared>>
      %dma_wait3A_126 = arith.constant 0 : i32
      %dma_wait3A_127 = arith.constant 0 : i32
      %dma_wait3A_128 = tpu.memref_slice %arg14[%run_scoped3A_10, %dma_wait3A_126, %dma_wait3A_127] : memref<2x128x128xf32, #tpu.memory_space<vmem>> -> memref<1x128x128xf32, #tpu.memory_space<vmem>>
      %dma_wait3A_129 = tpu.memref_squeeze %dma_wait3A_128 : memref<1x128x128xf32, #tpu.memory_space<vmem>> -> memref<128x128xf32, #tpu.memory_space<vmem>>
      %dma_wait3A_130 = arith.constant 0 : i32
      %dma_wait3A_131 = arith.constant 0 : i32
      %dma_wait3A_132 = tpu.memref_slice %dma_wait3A_129[%dma_wait3A_130, %dma_wait3A_131] : memref<128x128xf32, #tpu.memory_space<vmem>> -> memref<128x128xf32, #tpu.memory_space<vmem>>
      tpu.wait_dma2 semaphore(%run_scoped3A_96 : memref<!tpu.dma_semaphore, #tpu.memory_space<semaphore_mem>>) src(%dma_wait3A_132 : memref<128x128xf32, #tpu.memory_space<vmem>>) dst(%dma_wait3A_125 : memref<128x128xf32, #tpu.memory_space<vmem_shared>>)
      tpu.yield
    }) : () -> ()
    %add3A_11 = arith.constant 384 : i32
    %add3A_12 = arith.addi %mul3A_2, %add3A_11 : i32
    %run_scoped3A_13 = arith.constant 0 : i32
    "tpu.region"() ({
      %run_scoped3A_96 = tpu.sem_alloc : memref<!tpu.dma_semaphore, #tpu.memory_space<semaphore_mem>>
      %dma_start3A_97 = arith.constant 0 : i32
      %dma_start3A_98 = arith.constant 0 : i32
      %dma_start3A_99 = tpu.memref_slice %arg14[%run_scoped3A_13, %dma_start3A_97, %dma_start3A_98] : memref<2x128x128xf32, #tpu.memory_space<vmem>> -> memref<1x128x128xf32, #tpu.memory_space<vmem>>
      %dma_start3A_100 = tpu.memref_squeeze %dma_start3A_99 : memref<1x128x128xf32, #tpu.memory_space<vmem>> -> memref<128x128xf32, #tpu.memory_space<vmem>>
      %dma_start3A_101 = arith.constant 0 : i32
      %dma_start3A_102 = arith.constant 0 : i32
      %dma_start3A_103 = tpu.memref_slice %dma_start3A_100[%dma_start3A_101, %dma_start3A_102] : memref<128x128xf32, #tpu.memory_space<vmem>> -> memref<128x128xf32, #tpu.memory_space<vmem>>
      %dma_start3A_104 = arith.constant 0 : i32
      %dma_start3A_105 = tpu.memref_slice %arg17[%add3A_12, %dma_start3A_104] : memref<10000x128xf32, #tpu.memory_space<vmem_shared>> -> memref<128x128xf32, #tpu.memory_space<vmem_shared>>
      %dma_start3A_106 = arith.constant 0 : i32
      %dma_start3A_107 = tpu.memref_slice %arg17[%add3A_12, %dma_start3A_106] : memref<10000x128xf32, #tpu.memory_space<vmem_shared>> -> memref<128x128xf32, #tpu.memory_space<vmem_shared>>
      %dma_start3A_108 = arith.constant 0 : i32
      %dma_start3A_109 = arith.constant 0 : i32
      %dma_start3A_110 = tpu.memref_slice %arg14[%run_scoped3A_13, %dma_start3A_108, %dma_start3A_109] : memref<2x128x128xf32, #tpu.memory_space<vmem>> -> memref<1x128x128xf32, #tpu.memory_space<vmem>>
      %dma_start3A_111 = tpu.memref_squeeze %dma_start3A_110 : memref<1x128x128xf32, #tpu.memory_space<vmem>> -> memref<128x128xf32, #tpu.memory_space<vmem>>
      %dma_start3A_112 = arith.constant 0 : i32
      %dma_start3A_113 = arith.constant 0 : i32
      %dma_start3A_114 = tpu.memref_slice %dma_start3A_111[%dma_start3A_112, %dma_start3A_113] : memref<128x128xf32, #tpu.memory_space<vmem>> -> memref<128x128xf32, #tpu.memory_space<vmem>>
      tpu.enqueue_dma source(%dma_start3A_114 : memref<128x128xf32, #tpu.memory_space<vmem>>) target(%dma_start3A_107 : memref<128x128xf32, #tpu.memory_space<vmem_shared>>) target_semaphore(%run_scoped3A_96 : memref<!tpu.dma_semaphore, #tpu.memory_space<semaphore_mem>>)
      %dma_wait3A_115 = arith.constant 0 : i32
      %dma_wait3A_116 = arith.constant 0 : i32
      %dma_wait3A_117 = tpu.memref_slice %arg14[%run_scoped3A_13, %dma_wait3A_115, %dma_wait3A_116] : memref<2x128x128xf32, #tpu.memory_space<vmem>> -> memref<1x128x128xf32, #tpu.memory_space<vmem>>
      %dma_wait3A_118 = tpu.memref_squeeze %dma_wait3A_117 : memref<1x128x128xf32, #tpu.memory_space<vmem>> -> memref<128x128xf32, #tpu.memory_space<vmem>>
      %dma_wait3A_119 = arith.constant 0 : i32
      %dma_wait3A_120 = arith.constant 0 : i32
      %dma_wait3A_121 = tpu.memref_slice %dma_wait3A_118[%dma_wait3A_119, %dma_wait3A_120] : memref<128x128xf32, #tpu.memory_space<vmem>> -> memref<128x128xf32, #tpu.memory_space<vmem>>
      %dma_wait3A_122 = arith.constant 0 : i32
      %dma_wait3A_123 = tpu.memref_slice %arg17[%add3A_12, %dma_wait3A_122] : memref<10000x128xf32, #tpu.memory_space<vmem_shared>> -> memref<128x128xf32, #tpu.memory_space<vmem_shared>>
      %dma_wait3A_124 = arith.constant 0 : i32
      %dma_wait3A_125 = tpu.memref_slice %arg17[%add3A_12, %dma_wait3A_124] : memref<10000x128xf32, #tpu.memory_space<vmem_shared>> -> memref<128x128xf32, #tpu.memory_space<vmem_shared>>
      %dma_wait3A_126 = arith.constant 0 : i32
      %dma_wait3A_127 = arith.constant 0 : i32
      %dma_wait3A_128 = tpu.memref_slice %arg14[%run_scoped3A_13, %dma_wait3A_126, %dma_wait3A_127] : memref<2x128x128xf32, #tpu.memory_space<vmem>> -> memref<1x128x128xf32, #tpu.memory_space<vmem>>
      %dma_wait3A_129 = tpu.memref_squeeze %dma_wait3A_128 : memref<1x128x128xf32, #tpu.memory_space<vmem>> -> memref<128x128xf32, #tpu.memory_space<vmem>>
      %dma_wait3A_130 = arith.constant 0 : i32
      %dma_wait3A_131 = arith.constant 0 : i32
      %dma_wait3A_132 = tpu.memref_slice %dma_wait3A_129[%dma_wait3A_130, %dma_wait3A_131] : memref<128x128xf32, #tpu.memory_space<vmem>> -> memref<128x128xf32, #tpu.memory_space<vmem>>
      tpu.wait_dma2 semaphore(%run_scoped3A_96 : memref<!tpu.dma_semaphore, #tpu.memory_space<semaphore_mem>>) src(%dma_wait3A_132 : memref<128x128xf32, #tpu.memory_space<vmem>>) dst(%dma_wait3A_125 : memref<128x128xf32, #tpu.memory_space<vmem_shared>>)
      tpu.yield
    }) : () -> ()
    %add3A_14 = arith.constant 512 : i32
    %add3A_15 = arith.addi %mul3A_2, %add3A_14 : i32
    %run_scoped3A_16 = arith.constant 0 : i32
    "tpu.region"() ({
      %run_scoped3A_96 = tpu.sem_alloc : memref<!tpu.dma_semaphore, #tpu.memory_space<semaphore_mem>>
      %dma_start3A_97 = arith.constant 0 : i32
      %dma_start3A_98 = arith.constant 0 : i32
      %dma_start3A_99 = tpu.memref_slice %arg14[%run_scoped3A_16, %dma_start3A_97, %dma_start3A_98] : memref<2x128x128xf32, #tpu.memory_space<vmem>> -> memref<1x128x128xf32, #tpu.memory_space<vmem>>
      %dma_start3A_100 = tpu.memref_squeeze %dma_start3A_99 : memref<1x128x128xf32, #tpu.memory_space<vmem>> -> memref<128x128xf32, #tpu.memory_space<vmem>>
      %dma_start3A_101 = arith.constant 0 : i32
      %dma_start3A_102 = arith.constant 0 : i32
      %dma_start3A_103 = tpu.memref_slice %dma_start3A_100[%dma_start3A_101, %dma_start3A_102] : memref<128x128xf32, #tpu.memory_space<vmem>> -> memref<112x128xf32, #tpu.memory_space<vmem>>
      %dma_start3A_104 = arith.constant 0 : i32
      %dma_start3A_105 = tpu.memref_slice %arg17[%add3A_15, %dma_start3A_104] : memref<10000x128xf32, #tpu.memory_space<vmem_shared>> -> memref<112x128xf32, #tpu.memory_space<vmem_shared>>
      %dma_start3A_106 = arith.constant 0 : i32
      %dma_start3A_107 = tpu.memref_slice %arg17[%add3A_15, %dma_start3A_106] : memref<10000x128xf32, #tpu.memory_space<vmem_shared>> -> memref<112x128xf32, #tpu.memory_space<vmem_shared>>
      %dma_start3A_108 = arith.constant 0 : i32
      %dma_start3A_109 = arith.constant 0 : i32
      %dma_start3A_110 = tpu.memref_slice %arg14[%run_scoped3A_16, %dma_start3A_108, %dma_start3A_109] : memref<2x128x128xf32, #tpu.memory_space<vmem>> -> memref<1x128x128xf32, #tpu.memory_space<vmem>>
      %dma_start3A_111 = tpu.memref_squeeze %dma_start3A_110 : memref<1x128x128xf32, #tpu.memory_space<vmem>> -> memref<128x128xf32, #tpu.memory_space<vmem>>
      %dma_start3A_112 = arith.constant 0 : i32
      %dma_start3A_113 = arith.constant 0 : i32
      %dma_start3A_114 = tpu.memref_slice %dma_start3A_111[%dma_start3A_112, %dma_start3A_113] : memref<128x128xf32, #tpu.memory_space<vmem>> -> memref<112x128xf32, #tpu.memory_space<vmem>>
      tpu.enqueue_dma source(%dma_start3A_114 : memref<112x128xf32, #tpu.memory_space<vmem>>) target(%dma_start3A_107 : memref<112x128xf32, #tpu.memory_space<vmem_shared>>) target_semaphore(%run_scoped3A_96 : memref<!tpu.dma_semaphore, #tpu.memory_space<semaphore_mem>>)
      %dma_wait3A_115 = arith.constant 0 : i32
      %dma_wait3A_116 = arith.constant 0 : i32
      %dma_wait3A_117 = tpu.memref_slice %arg14[%run_scoped3A_16, %dma_wait3A_115, %dma_wait3A_116] : memref<2x128x128xf32, #tpu.memory_space<vmem>> -> memref<1x128x128xf32, #tpu.memory_space<vmem>>
      %dma_wait3A_118 = tpu.memref_squeeze %dma_wait3A_117 : memref<1x128x128xf32, #tpu.memory_space<vmem>> -> memref<128x128xf32, #tpu.memory_space<vmem>>
      %dma_wait3A_119 = arith.constant 0 : i32
      %dma_wait3A_120 = arith.constant 0 : i32
      %dma_wait3A_121 = tpu.memref_slice %dma_wait3A_118[%dma_wait3A_119, %dma_wait3A_120] : memref<128x128xf32, #tpu.memory_space<vmem>> -> memref<112x128xf32, #tpu.memory_space<vmem>>
      %dma_wait3A_122 = arith.constant 0 : i32
      %dma_wait3A_123 = tpu.memref_slice %arg17[%add3A_15, %dma_wait3A_122] : memref<10000x128xf32, #tpu.memory_space<vmem_shared>> -> memref<112x128xf32, #tpu.memory_space<vmem_shared>>
      %dma_wait3A_124 = arith.constant 0 : i32
      %dma_wait3A_125 = tpu.memref_slice %arg17[%add3A_15, %dma_wait3A_124] : memref<10000x128xf32, #tpu.memory_space<vmem_shared>> -> memref<112x128xf32, #tpu.memory_space<vmem_shared>>
      %dma_wait3A_126 = arith.constant 0 : i32
      %dma_wait3A_127 = arith.constant 0 : i32
      %dma_wait3A_128 = tpu.memref_slice %arg14[%run_scoped3A_16, %dma_wait3A_126, %dma_wait3A_127] : memref<2x128x128xf32, #tpu.memory_space<vmem>> -> memref<1x128x128xf32, #tpu.memory_space<vmem>>
      %dma_wait3A_129 = tpu.memref_squeeze %dma_wait3A_128 : memref<1x128x128xf32, #tpu.memory_space<vmem>> -> memref<128x128xf32, #tpu.memory_space<vmem>>
      %dma_wait3A_130 = arith.constant 0 : i32
      %dma_wait3A_131 = arith.constant 0 : i32
      %dma_wait3A_132 = tpu.memref_slice %dma_wait3A_129[%dma_wait3A_130, %dma_wait3A_131] : memref<128x128xf32, #tpu.memory_space<vmem>> -> memref<112x128xf32, #tpu.memory_space<vmem>>
      tpu.wait_dma2 semaphore(%run_scoped3A_96 : memref<!tpu.dma_semaphore, #tpu.memory_space<semaphore_mem>>) src(%dma_wait3A_132 : memref<112x128xf32, #tpu.memory_space<vmem>>) dst(%dma_wait3A_125 : memref<112x128xf32, #tpu.memory_space<vmem_shared>>)
      tpu.yield
    }) : () -> ()
    %eq3A = arith.constant 15 : i32
    %eq3A_17 = arith.cmpi eq, %arg1, %eq3A : i32
    %convert_element_type3A = arith.extui %eq3A_17 : i1 to i32
    %cond3A = arith.constant 0 : i32
    %cond3A_18 = arith.constant 0 : i32
    %cond3A_19 = arith.cmpi ne, %convert_element_type3A, %cond3A_18 : i32
    scf.if %cond3A_19 {
      "tpu.region"() ({
        %run_scoped3A_96 = tpu.sem_alloc : memref<!tpu.dma_semaphore, #tpu.memory_space<semaphore_mem>>
        %dma_start3A_97 = arith.constant 0 : i32
        %dma_start3A_98 = arith.constant 0 : i32
        %dma_start3A_99 = tpu.memref_slice %arg14[%cond3A, %dma_start3A_97, %dma_start3A_98] : memref<2x128x128xf32, #tpu.memory_space<vmem>> -> memref<1x128x128xf32, #tpu.memory_space<vmem>>
        %dma_start3A_100 = tpu.memref_squeeze %dma_start3A_99 : memref<1x128x128xf32, #tpu.memory_space<vmem>> -> memref<128x128xf32, #tpu.memory_space<vmem>>
        %dma_start3A_101 = arith.constant 0 : i32
        %dma_start3A_102 = arith.constant 0 : i32
        %dma_start3A_103 = tpu.memref_slice %dma_start3A_100[%dma_start3A_101, %dma_start3A_102] : memref<128x128xf32, #tpu.memory_space<vmem>> -> memref<16x128xf32, #tpu.memory_space<vmem>>
        %dma_start3A_104 = arith.constant 9984 : i32
        %dma_start3A_105 = arith.constant 0 : i32
        %dma_start3A_106 = tpu.memref_slice %arg17[%dma_start3A_104, %dma_start3A_105] : memref<10000x128xf32, #tpu.memory_space<vmem_shared>> -> memref<16x128xf32, #tpu.memory_space<vmem_shared>>
        %dma_start3A_107 = arith.constant 9984 : i32
        %dma_start3A_108 = arith.constant 0 : i32
        %dma_start3A_109 = tpu.memref_slice %arg17[%dma_start3A_107, %dma_start3A_108] : memref<10000x128xf32, #tpu.memory_space<vmem_shared>> -> memref<16x128xf32, #tpu.memory_space<vmem_shared>>
        %dma_start3A_110 = arith.constant 0 : i32
        %dma_start3A_111 = arith.constant 0 : i32
        %dma_start3A_112 = tpu.memref_slice %arg14[%cond3A, %dma_start3A_110, %dma_start3A_111] : memref<2x128x128xf32, #tpu.memory_space<vmem>> -> memref<1x128x128xf32, #tpu.memory_space<vmem>>
        %dma_start3A_113 = tpu.memref_squeeze %dma_start3A_112 : memref<1x128x128xf32, #tpu.memory_space<vmem>> -> memref<128x128xf32, #tpu.memory_space<vmem>>
        %dma_start3A_114 = arith.constant 0 : i32
        %dma_start3A_115 = arith.constant 0 : i32
        %dma_start3A_116 = tpu.memref_slice %dma_start3A_113[%dma_start3A_114, %dma_start3A_115] : memref<128x128xf32, #tpu.memory_space<vmem>> -> memref<16x128xf32, #tpu.memory_space<vmem>>
        tpu.enqueue_dma source(%dma_start3A_116 : memref<16x128xf32, #tpu.memory_space<vmem>>) target(%dma_start3A_109 : memref<16x128xf32, #tpu.memory_space<vmem_shared>>) target_semaphore(%run_scoped3A_96 : memref<!tpu.dma_semaphore, #tpu.memory_space<semaphore_mem>>)
        %dma_wait3A_117 = arith.constant 0 : i32
        %dma_wait3A_118 = arith.constant 0 : i32
        %dma_wait3A_119 = tpu.memref_slice %arg14[%cond3A, %dma_wait3A_117, %dma_wait3A_118] : memref<2x128x128xf32, #tpu.memory_space<vmem>> -> memref<1x128x128xf32, #tpu.memory_space<vmem>>
        %dma_wait3A_120 = tpu.memref_squeeze %dma_wait3A_119 : memref<1x128x128xf32, #tpu.memory_space<vmem>> -> memref<128x128xf32, #tpu.memory_space<vmem>>
        %dma_wait3A_121 = arith.constant 0 : i32
        %dma_wait3A_122 = arith.constant 0 : i32
        %dma_wait3A_123 = tpu.memref_slice %dma_wait3A_120[%dma_wait3A_121, %dma_wait3A_122] : memref<128x128xf32, #tpu.memory_space<vmem>> -> memref<16x128xf32, #tpu.memory_space<vmem>>
        %dma_wait3A_124 = arith.constant 9984 : i32
        %dma_wait3A_125 = arith.constant 0 : i32
        %dma_wait3A_126 = tpu.memref_slice %arg17[%dma_wait3A_124, %dma_wait3A_125] : memref<10000x128xf32, #tpu.memory_space<vmem_shared>> -> memref<16x128xf32, #tpu.memory_space<vmem_shared>>
        %dma_wait3A_127 = arith.constant 9984 : i32
        %dma_wait3A_128 = arith.constant 0 : i32
        %dma_wait3A_129 = tpu.memref_slice %arg17[%dma_wait3A_127, %dma_wait3A_128] : memref<10000x128xf32, #tpu.memory_space<vmem_shared>> -> memref<16x128xf32, #tpu.memory_space<vmem_shared>>
        %dma_wait3A_130 = arith.constant 0 : i32
        %dma_wait3A_131 = arith.constant 0 : i32
        %dma_wait3A_132 = tpu.memref_slice %arg14[%cond3A, %dma_wait3A_130, %dma_wait3A_131] : memref<2x128x128xf32, #tpu.memory_space<vmem>> -> memref<1x128x128xf32, #tpu.memory_space<vmem>>
        %dma_wait3A_133 = tpu.memref_squeeze %dma_wait3A_132 : memref<1x128x128xf32, #tpu.memory_space<vmem>> -> memref<128x128xf32, #tpu.memory_space<vmem>>
        %dma_wait3A_134 = arith.constant 0 : i32
        %dma_wait3A_135 = arith.constant 0 : i32
        %dma_wait3A_136 = tpu.memref_slice %dma_wait3A_133[%dma_wait3A_134, %dma_wait3A_135] : memref<128x128xf32, #tpu.memory_space<vmem>> -> memref<16x128xf32, #tpu.memory_space<vmem>>
        tpu.wait_dma2 semaphore(%run_scoped3A_96 : memref<!tpu.dma_semaphore, #tpu.memory_space<semaphore_mem>>) src(%dma_wait3A_136 : memref<16x128xf32, #tpu.memory_space<vmem>>) dst(%dma_wait3A_129 : memref<16x128xf32, #tpu.memory_space<vmem_shared>>)
        tpu.yield
      }) : () -> ()
    } else {
    }
    %eq3A_20 = arith.constant 0 : i32
    %eq3A_21 = arith.cmpi eq, %arg1, %eq3A_20 : i32
    %convert_element_type3A_22 = arith.extui %eq3A_21 : i1 to i32
    %cond3A_23 = arith.constant 0 : i32
    %cond3A_24 = arith.cmpi ne, %convert_element_type3A_22, %cond3A_23 : i32
    scf.if %cond3A_24 {
      "tpu.region"() ({
        %run_scoped3A_96 = tpu.sem_alloc : memref<!tpu.dma_semaphore, #tpu.memory_space<semaphore_mem>>
        tpu.enqueue_dma source(%arg6 : memref<160000xf32, #tpu.memory_space<hbm>>) target(%arg18 : memref<160000xf32, #tpu.memory_space<vmem_shared>>) target_semaphore(%run_scoped3A_96 : memref<!tpu.dma_semaphore, #tpu.memory_space<semaphore_mem>>)
        tpu.wait_dma2 semaphore(%run_scoped3A_96 : memref<!tpu.dma_semaphore, #tpu.memory_space<semaphore_mem>>) src(%arg6 : memref<160000xf32, #tpu.memory_space<hbm>>) dst(%arg18 : memref<160000xf32, #tpu.memory_space<vmem_shared>>)
        tpu.yield
      }) : () -> ()
    } else {
    }
    %barrier3A = arith.constant 0 : index
    tpu.barrier barrier_id(%barrier3A)
    %run_scoped3A_25 = arith.constant 0 : i32
    "tpu.region"() ({
      %run_scoped3A_96 = tpu.sem_alloc : memref<!tpu.dma_semaphore, #tpu.memory_space<semaphore_mem>>
      %dma_start3A_97 = arith.constant 0 : i32
      %dma_start3A_98 = arith.constant 0 : i32
      %dma_start3A_99 = tpu.memref_slice %arg11[%run_scoped3A_25, %dma_start3A_97, %dma_start3A_98] : memref<2x8x128xi32, #tpu.memory_space<vmem>> -> memref<1x8x128xi32, #tpu.memory_space<vmem>>
      %dma_start3A_100 = tpu.memref_squeeze %dma_start3A_99 : memref<1x8x128xi32, #tpu.memory_space<vmem>> -> memref<8x128xi32, #tpu.memory_space<vmem>>
      %dma_start3A_101 = arith.constant 0 : i32
      %dma_start3A_102 = tpu.memref_slice %arg3[%arg0, %mul3A_0, %dma_start3A_101] : memref<2x2504x128xi32, #tpu.memory_space<hbm>> -> memref<1x8x128xi32, #tpu.memory_space<hbm>>
      %dma_start3A_103 = tpu.memref_squeeze %dma_start3A_102 : memref<1x8x128xi32, #tpu.memory_space<hbm>> -> memref<8x128xi32, #tpu.memory_space<hbm>>
      %dma_start3A_104 = arith.constant 0 : i32
      %dma_start3A_105 = arith.constant 0 : i32
      %dma_start3A_106 = tpu.memref_slice %arg11[%run_scoped3A_25, %dma_start3A_104, %dma_start3A_105] : memref<2x8x128xi32, #tpu.memory_space<vmem>> -> memref<1x8x128xi32, #tpu.memory_space<vmem>>
      %dma_start3A_107 = tpu.memref_squeeze %dma_start3A_106 : memref<1x8x128xi32, #tpu.memory_space<vmem>> -> memref<8x128xi32, #tpu.memory_space<vmem>>
      %dma_start3A_108 = arith.constant 0 : i32
      %dma_start3A_109 = tpu.memref_slice %arg3[%arg0, %mul3A_0, %dma_start3A_108] : memref<2x2504x128xi32, #tpu.memory_space<hbm>> -> memref<1x8x128xi32, #tpu.memory_space<hbm>>
      %dma_start3A_110 = tpu.memref_squeeze %dma_start3A_109 : memref<1x8x128xi32, #tpu.memory_space<hbm>> -> memref<8x128xi32, #tpu.memory_space<hbm>>
      tpu.enqueue_dma source(%dma_start3A_110 : memref<8x128xi32, #tpu.memory_space<hbm>>) target(%dma_start3A_107 : memref<8x128xi32, #tpu.memory_space<vmem>>) target_semaphore(%run_scoped3A_96 : memref<!tpu.dma_semaphore, #tpu.memory_space<semaphore_mem>>)
      %dma_wait3A_111 = arith.constant 0 : i32
      %dma_wait3A_112 = arith.constant 0 : i32
      %dma_wait3A_113 = tpu.memref_slice %arg11[%run_scoped3A_25, %dma_wait3A_111, %dma_wait3A_112] : memref<2x8x128xi32, #tpu.memory_space<vmem>> -> memref<1x8x128xi32, #tpu.memory_space<vmem>>
      %dma_wait3A_114 = tpu.memref_squeeze %dma_wait3A_113 : memref<1x8x128xi32, #tpu.memory_space<vmem>> -> memref<8x128xi32, #tpu.memory_space<vmem>>
      %dma_wait3A_115 = arith.constant 0 : i32
      %dma_wait3A_116 = tpu.memref_slice %arg3[%arg0, %mul3A_0, %dma_wait3A_115] : memref<2x2504x128xi32, #tpu.memory_space<hbm>> -> memref<1x8x128xi32, #tpu.memory_space<hbm>>
      %dma_wait3A_117 = tpu.memref_squeeze %dma_wait3A_116 : memref<1x8x128xi32, #tpu.memory_space<hbm>> -> memref<8x128xi32, #tpu.memory_space<hbm>>
      %dma_wait3A_118 = arith.constant 0 : i32
      %dma_wait3A_119 = arith.constant 0 : i32
      %dma_wait3A_120 = tpu.memref_slice %arg11[%run_scoped3A_25, %dma_wait3A_118, %dma_wait3A_119] : memref<2x8x128xi32, #tpu.memory_space<vmem>> -> memref<1x8x128xi32, #tpu.memory_space<vmem>>
      %dma_wait3A_121 = tpu.memref_squeeze %dma_wait3A_120 : memref<1x8x128xi32, #tpu.memory_space<vmem>> -> memref<8x128xi32, #tpu.memory_space<vmem>>
      %dma_wait3A_122 = arith.constant 0 : i32
      %dma_wait3A_123 = tpu.memref_slice %arg3[%arg0, %mul3A_0, %dma_wait3A_122] : memref<2x2504x128xi32, #tpu.memory_space<hbm>> -> memref<1x8x128xi32, #tpu.memory_space<hbm>>
      %dma_wait3A_124 = tpu.memref_squeeze %dma_wait3A_123 : memref<1x8x128xi32, #tpu.memory_space<hbm>> -> memref<8x128xi32, #tpu.memory_space<hbm>>
      tpu.wait_dma2 semaphore(%run_scoped3A_96 : memref<!tpu.dma_semaphore, #tpu.memory_space<semaphore_mem>>) src(%dma_wait3A_124 : memref<8x128xi32, #tpu.memory_space<hbm>>) dst(%dma_wait3A_121 : memref<8x128xi32, #tpu.memory_space<vmem>>)
      tpu.yield
    }) : () -> ()
    %sub3A = arith.constant 1 : i32
    %sub3A_26 = arith.subi %sub3A, %arg0 : i32
    %run_scoped3A_27 = arith.constant 0 : i32
    "tpu.region"() ({
      %run_scoped3A_96 = tpu.sem_alloc : memref<!tpu.dma_semaphore, #tpu.memory_space<semaphore_mem>>
      %dma_start3A_97 = arith.constant 0 : i32
      %dma_start3A_98 = arith.constant 0 : i32
      %dma_start3A_99 = tpu.memref_slice %arg12[%run_scoped3A_27, %dma_start3A_97, %dma_start3A_98] : memref<2x8x128xi32, #tpu.memory_space<vmem>> -> memref<1x8x128xi32, #tpu.memory_space<vmem>>
      %dma_start3A_100 = tpu.memref_squeeze %dma_start3A_99 : memref<1x8x128xi32, #tpu.memory_space<vmem>> -> memref<8x128xi32, #tpu.memory_space<vmem>>
      %dma_start3A_101 = arith.constant 0 : i32
      %dma_start3A_102 = tpu.memref_slice %arg3[%sub3A_26, %mul3A_0, %dma_start3A_101] : memref<2x2504x128xi32, #tpu.memory_space<hbm>> -> memref<1x8x128xi32, #tpu.memory_space<hbm>>
      %dma_start3A_103 = tpu.memref_squeeze %dma_start3A_102 : memref<1x8x128xi32, #tpu.memory_space<hbm>> -> memref<8x128xi32, #tpu.memory_space<hbm>>
      %dma_start3A_104 = arith.constant 0 : i32
      %dma_start3A_105 = arith.constant 0 : i32
      %dma_start3A_106 = tpu.memref_slice %arg12[%run_scoped3A_27, %dma_start3A_104, %dma_start3A_105] : memref<2x8x128xi32, #tpu.memory_space<vmem>> -> memref<1x8x128xi32, #tpu.memory_space<vmem>>
      %dma_start3A_107 = tpu.memref_squeeze %dma_start3A_106 : memref<1x8x128xi32, #tpu.memory_space<vmem>> -> memref<8x128xi32, #tpu.memory_space<vmem>>
      %dma_start3A_108 = arith.constant 0 : i32
      %dma_start3A_109 = tpu.memref_slice %arg3[%sub3A_26, %mul3A_0, %dma_start3A_108] : memref<2x2504x128xi32, #tpu.memory_space<hbm>> -> memref<1x8x128xi32, #tpu.memory_space<hbm>>
      %dma_start3A_110 = tpu.memref_squeeze %dma_start3A_109 : memref<1x8x128xi32, #tpu.memory_space<hbm>> -> memref<8x128xi32, #tpu.memory_space<hbm>>
      tpu.enqueue_dma source(%dma_start3A_110 : memref<8x128xi32, #tpu.memory_space<hbm>>) target(%dma_start3A_107 : memref<8x128xi32, #tpu.memory_space<vmem>>) target_semaphore(%run_scoped3A_96 : memref<!tpu.dma_semaphore, #tpu.memory_space<semaphore_mem>>)
      %dma_wait3A_111 = arith.constant 0 : i32
      %dma_wait3A_112 = arith.constant 0 : i32
      %dma_wait3A_113 = tpu.memref_slice %arg12[%run_scoped3A_27, %dma_wait3A_111, %dma_wait3A_112] : memref<2x8x128xi32, #tpu.memory_space<vmem>> -> memref<1x8x128xi32, #tpu.memory_space<vmem>>
      %dma_wait3A_114 = tpu.memref_squeeze %dma_wait3A_113 : memref<1x8x128xi32, #tpu.memory_space<vmem>> -> memref<8x128xi32, #tpu.memory_space<vmem>>
      %dma_wait3A_115 = arith.constant 0 : i32
      %dma_wait3A_116 = tpu.memref_slice %arg3[%sub3A_26, %mul3A_0, %dma_wait3A_115] : memref<2x2504x128xi32, #tpu.memory_space<hbm>> -> memref<1x8x128xi32, #tpu.memory_space<hbm>>
      %dma_wait3A_117 = tpu.memref_squeeze %dma_wait3A_116 : memref<1x8x128xi32, #tpu.memory_space<hbm>> -> memref<8x128xi32, #tpu.memory_space<hbm>>
      %dma_wait3A_118 = arith.constant 0 : i32
      %dma_wait3A_119 = arith.constant 0 : i32
      %dma_wait3A_120 = tpu.memref_slice %arg12[%run_scoped3A_27, %dma_wait3A_118, %dma_wait3A_119] : memref<2x8x128xi32, #tpu.memory_space<vmem>> -> memref<1x8x128xi32, #tpu.memory_space<vmem>>
      %dma_wait3A_121 = tpu.memref_squeeze %dma_wait3A_120 : memref<1x8x128xi32, #tpu.memory_space<vmem>> -> memref<8x128xi32, #tpu.memory_space<vmem>>
      %dma_wait3A_122 = arith.constant 0 : i32
      %dma_wait3A_123 = tpu.memref_slice %arg3[%sub3A_26, %mul3A_0, %dma_wait3A_122] : memref<2x2504x128xi32, #tpu.memory_space<hbm>> -> memref<1x8x128xi32, #tpu.memory_space<hbm>>
      %dma_wait3A_124 = tpu.memref_squeeze %dma_wait3A_123 : memref<1x8x128xi32, #tpu.memory_space<hbm>> -> memref<8x128xi32, #tpu.memory_space<hbm>>
      tpu.wait_dma2 semaphore(%run_scoped3A_96 : memref<!tpu.dma_semaphore, #tpu.memory_space<semaphore_mem>>) src(%dma_wait3A_124 : memref<8x128xi32, #tpu.memory_space<hbm>>) dst(%dma_wait3A_121 : memref<8x128xi32, #tpu.memory_space<vmem>>)
      tpu.yield
    }) : () -> ()
    %run_scoped3A_28 = arith.constant 0 : i32
    "tpu.region"() ({
      %run_scoped3A_96 = tpu.sem_alloc : memref<!tpu.dma_semaphore, #tpu.memory_space<semaphore_mem>>
      %dma_start3A_97 = arith.constant 0 : i32
      %dma_start3A_98 = arith.constant 0 : i32
      %dma_start3A_99 = tpu.memref_slice %arg13[%run_scoped3A_28, %dma_start3A_97, %dma_start3A_98] : memref<2x8x128xi32, #tpu.memory_space<vmem>> -> memref<1x8x128xi32, #tpu.memory_space<vmem>>
      %dma_start3A_100 = tpu.memref_squeeze %dma_start3A_99 : memref<1x8x128xi32, #tpu.memory_space<vmem>> -> memref<8x128xi32, #tpu.memory_space<vmem>>
      %dma_start3A_101 = arith.constant 0 : i32
      %dma_start3A_102 = tpu.memref_slice %arg4[%arg0, %mul3A_0, %dma_start3A_101] : memref<2x2504x128xi32, #tpu.memory_space<hbm>> -> memref<1x8x128xi32, #tpu.memory_space<hbm>>
      %dma_start3A_103 = tpu.memref_squeeze %dma_start3A_102 : memref<1x8x128xi32, #tpu.memory_space<hbm>> -> memref<8x128xi32, #tpu.memory_space<hbm>>
      %dma_start3A_104 = arith.constant 0 : i32
      %dma_start3A_105 = arith.constant 0 : i32
      %dma_start3A_106 = tpu.memref_slice %arg13[%run_scoped3A_28, %dma_start3A_104, %dma_start3A_105] : memref<2x8x128xi32, #tpu.memory_space<vmem>> -> memref<1x8x128xi32, #tpu.memory_space<vmem>>
      %dma_start3A_107 = tpu.memref_squeeze %dma_start3A_106 : memref<1x8x128xi32, #tpu.memory_space<vmem>> -> memref<8x128xi32, #tpu.memory_space<vmem>>
      %dma_start3A_108 = arith.constant 0 : i32
      %dma_start3A_109 = tpu.memref_slice %arg4[%arg0, %mul3A_0, %dma_start3A_108] : memref<2x2504x128xi32, #tpu.memory_space<hbm>> -> memref<1x8x128xi32, #tpu.memory_space<hbm>>
      %dma_start3A_110 = tpu.memref_squeeze %dma_start3A_109 : memref<1x8x128xi32, #tpu.memory_space<hbm>> -> memref<8x128xi32, #tpu.memory_space<hbm>>
      tpu.enqueue_dma source(%dma_start3A_110 : memref<8x128xi32, #tpu.memory_space<hbm>>) target(%dma_start3A_107 : memref<8x128xi32, #tpu.memory_space<vmem>>) target_semaphore(%run_scoped3A_96 : memref<!tpu.dma_semaphore, #tpu.memory_space<semaphore_mem>>)
      %dma_wait3A_111 = arith.constant 0 : i32
      %dma_wait3A_112 = arith.constant 0 : i32
      %dma_wait3A_113 = tpu.memref_slice %arg13[%run_scoped3A_28, %dma_wait3A_111, %dma_wait3A_112] : memref<2x8x128xi32, #tpu.memory_space<vmem>> -> memref<1x8x128xi32, #tpu.memory_space<vmem>>
      %dma_wait3A_114 = tpu.memref_squeeze %dma_wait3A_113 : memref<1x8x128xi32, #tpu.memory_space<vmem>> -> memref<8x128xi32, #tpu.memory_space<vmem>>
      %dma_wait3A_115 = arith.constant 0 : i32
      %dma_wait3A_116 = tpu.memref_slice %arg4[%arg0, %mul3A_0, %dma_wait3A_115] : memref<2x2504x128xi32, #tpu.memory_space<hbm>> -> memref<1x8x128xi32, #tpu.memory_space<hbm>>
      %dma_wait3A_117 = tpu.memref_squeeze %dma_wait3A_116 : memref<1x8x128xi32, #tpu.memory_space<hbm>> -> memref<8x128xi32, #tpu.memory_space<hbm>>
      %dma_wait3A_118 = arith.constant 0 : i32
      %dma_wait3A_119 = arith.constant 0 : i32
      %dma_wait3A_120 = tpu.memref_slice %arg13[%run_scoped3A_28, %dma_wait3A_118, %dma_wait3A_119] : memref<2x8x128xi32, #tpu.memory_space<vmem>> -> memref<1x8x128xi32, #tpu.memory_space<vmem>>
      %dma_wait3A_121 = tpu.memref_squeeze %dma_wait3A_120 : memref<1x8x128xi32, #tpu.memory_space<vmem>> -> memref<8x128xi32, #tpu.memory_space<vmem>>
      %dma_wait3A_122 = arith.constant 0 : i32
      %dma_wait3A_123 = tpu.memref_slice %arg4[%arg0, %mul3A_0, %dma_wait3A_122] : memref<2x2504x128xi32, #tpu.memory_space<hbm>> -> memref<1x8x128xi32, #tpu.memory_space<hbm>>
      %dma_wait3A_124 = tpu.memref_squeeze %dma_wait3A_123 : memref<1x8x128xi32, #tpu.memory_space<hbm>> -> memref<8x128xi32, #tpu.memory_space<hbm>>
      tpu.wait_dma2 semaphore(%run_scoped3A_96 : memref<!tpu.dma_semaphore, #tpu.memory_space<semaphore_mem>>) src(%dma_wait3A_124 : memref<8x128xi32, #tpu.memory_space<hbm>>) dst(%dma_wait3A_121 : memref<8x128xi32, #tpu.memory_space<vmem>>)
      tpu.yield
    }) : () -> ()
    %dma_start3A = arith.constant 0 : i32
    %dma_start3A_29 = arith.constant 0 : i32
    %dma_start3A_30 = arith.constant 0 : i32
    %dma_start3A_31 = arith.constant 0 : i32
    %dma_start3A_32 = arith.constant 0 : i32
    %dma_start3A_33 = arith.constant 0 : i32
    %dma_start3A_34 = tpu.memref_slice %arg14[%dma_start3A_30, %dma_start3A_32, %dma_start3A_33] : memref<2x128x128xf32, #tpu.memory_space<vmem>> -> memref<1x128x128xf32, #tpu.memory_space<vmem>>
    %dma_start3A_35 = tpu.memref_squeeze %dma_start3A_34 : memref<1x128x128xf32, #tpu.memory_space<vmem>> -> memref<128x128xf32, #tpu.memory_space<vmem>>
    %dma_start3A_36 = arith.constant 0 : i32
    %dma_start3A_37 = tpu.memref_slice %arg11[%dma_start3A, %dma_start3A_29, %dma_start3A_36] : memref<2x8x128xi32, #tpu.memory_space<vmem>> -> memref<1x1x128xi32, #tpu.memory_space<vmem>>
    %dma_start3A_38 = tpu.memref_squeeze %dma_start3A_37 : memref<1x1x128xi32, #tpu.memory_space<vmem>> -> memref<128xi32, #tpu.memory_space<vmem>>
    %dma_start3A_39 = arith.constant 0 : i32
    %dma_start3A_40 = arith.constant 0 : i32
    %dma_start3A_41 = tpu.memref_slice %arg2[%dma_start3A_39, %dma_start3A_40] : memref<10000x128xf32, #tpu.memory_space<hbm>> -> memref<10000x128xf32, #tpu.memory_space<hbm>>
    %dma_start3A_42 = tpu.memref_slice %arg19[%dma_start3A_31] : memref<2x!tpu.dma_semaphore, #tpu.memory_space<semaphore_mem>> -> memref<1x!tpu.dma_semaphore, #tpu.memory_space<semaphore_mem>>
    %dma_start3A_43 = tpu.memref_squeeze %dma_start3A_42 : memref<1x!tpu.dma_semaphore, #tpu.memory_space<semaphore_mem>> -> memref<!tpu.dma_semaphore, #tpu.memory_space<semaphore_mem>>
    tpu.enqueue_indirect_dma source(%dma_start3A_41 : memref<10000x128xf32, #tpu.memory_space<hbm>>) target(%dma_start3A_35 : memref<128x128xf32, #tpu.memory_space<vmem>>) offsets(%dma_start3A_38 : memref<128xi32, #tpu.memory_space<vmem>>) semaphore(%dma_start3A_43 : memref<!tpu.dma_semaphore, #tpu.memory_space<semaphore_mem>>)
    %scan3A = arith.constant 0 : i32
    %scan3A_44 = arith.constant 0 : i32
    %scan3A_45 = arith.constant 160 : i32
    %scan3A_46 = arith.addi %scan3A_44, %scan3A_45 : i32
    %scan3A_47 = arith.constant 1 : i32
    scf.for %scan3A_96 = %scan3A_44 to %scan3A_46 step %scan3A_47  : i32 {
      %jit3A_97 = arith.constant 8 : i32
      %div3A = arith.divsi %scan3A_96, %jit3A_97 : i32
      %sign3A = arith.constant 0 : i32
      %sign3A_98 = arith.cmpi sgt, %scan3A_96, %sign3A : i32
      %sign3A_99 = arith.extui %sign3A_98 : i1 to i32
      %sign3A_100 = arith.constant 0 : i32
      %sign3A_101 = arith.cmpi slt, %scan3A_96, %sign3A_100 : i32
      %sign3A_102 = arith.extui %sign3A_101 : i1 to i32
      %sign3A_103 = arith.subi %sign3A_99, %sign3A_102 : i32
      %sign3A_104 = arith.constant 0 : i32
      %sign3A_105 = arith.cmpi sgt, %jit3A_97, %sign3A_104 : i32
      %sign3A_106 = arith.extui %sign3A_105 : i1 to i32
      %sign3A_107 = arith.constant 0 : i32
      %sign3A_108 = arith.cmpi slt, %jit3A_97, %sign3A_107 : i32
      %sign3A_109 = arith.extui %sign3A_108 : i1 to i32
      %sign3A_110 = arith.subi %sign3A_106, %sign3A_109 : i32
      %ne3A = arith.cmpi ne, %sign3A_103, %sign3A_110 : i32
      %rem3A = arith.remsi %scan3A_96, %jit3A_97 : i32
      %ne3A_111 = arith.constant 0 : i32
      %ne3A_112 = arith.cmpi ne, %rem3A, %ne3A_111 : i32
      %and3A = arith.andi %ne3A, %ne3A_112 : i1
      %sub3A_113 = arith.constant 1 : i32
      %sub3A_114 = arith.subi %div3A, %sub3A_113 : i32
      %select_n3A = arith.select %and3A, %sub3A_114, %div3A : i32
      %mul3A_115 = arith.constant 8 : i32
      %mul3A_116 = arith.muli %select_n3A, %mul3A_115 : i32
      %sub3A_117 = arith.subi %scan3A_96, %mul3A_116 : i32
      %rem3A_118 = arith.constant 2 : i32
      %rem3A_119 = arith.remsi %select_n3A, %rem3A_118 : i32
      %rem3A_120 = arith.constant 2 : i32
      %rem3A_121 = arith.remsi %scan3A_96, %rem3A_120 : i32
      %add3A_122 = arith.addi %mul3A_0, %scan3A_96 : i32
      %eq3A_123 = arith.constant 0 : i32
      %eq3A_124 = arith.cmpi eq, %sub3A_117, %eq3A_123 : i32
      %add3A_125 = arith.constant 8 : i32
      %add3A_126 = arith.addi %scan3A_96, %add3A_125 : i32
      %lt3A = arith.constant 160 : i32
      %lt3A_127 = arith.cmpi slt, %add3A_126, %lt3A : i32
      %add3A_128 = arith.constant 8 : i32
      %add3A_129 = arith.addi %add3A_122, %add3A_128 : i32
      %lt3A_130 = arith.constant 2500 : i32
      %lt3A_131 = arith.cmpi slt, %add3A_129, %lt3A_130 : i32
      %and3A_132 = arith.andi %lt3A_127, %lt3A_131 : i1
      %and3A_133 = arith.andi %eq3A_124, %and3A_132 : i1
      %convert_element_type3A_134 = arith.extui %and3A_133 : i1 to i32
      %cond3A_135 = arith.constant 0 : i32
      %cond3A_136 = arith.cmpi ne, %convert_element_type3A_134, %cond3A_135 : i32
      scf.if %cond3A_136 {
        %sub3A_154 = arith.constant 1 : i32
        %sub3A_155 = arith.subi %sub3A_154, %rem3A_119 : i32
        %add3A_156 = arith.constant 1 : i32
        %add3A_157 = arith.addi %select_n3A, %add3A_156 : i32
        %mul3A_158 = arith.constant 8 : i32
        %mul3A_159 = arith.muli %add3A_157, %mul3A_158 : i32
        %add3A_160 = arith.addi %mul3A_0, %mul3A_159 : i32
        %dma_start3A_161 = arith.constant 0 : i32
        %dma_start3A_162 = arith.constant 0 : i32
        %dma_start3A_163 = tpu.memref_slice %arg11[%sub3A_155, %dma_start3A_161, %dma_start3A_162] : memref<2x8x128xi32, #tpu.memory_space<vmem>> -> memref<1x8x128xi32, #tpu.memory_space<vmem>>
        %dma_start3A_164 = tpu.memref_squeeze %dma_start3A_163 : memref<1x8x128xi32, #tpu.memory_space<vmem>> -> memref<8x128xi32, #tpu.memory_space<vmem>>
        %dma_start3A_165 = arith.constant 0 : i32
        %dma_start3A_166 = tpu.memref_slice %arg3[%arg0, %add3A_160, %dma_start3A_165] : memref<2x2504x128xi32, #tpu.memory_space<hbm>> -> memref<1x8x128xi32, #tpu.memory_space<hbm>>
        %dma_start3A_167 = tpu.memref_squeeze %dma_start3A_166 : memref<1x8x128xi32, #tpu.memory_space<hbm>> -> memref<8x128xi32, #tpu.memory_space<hbm>>
        %dma_start3A_168 = tpu.memref_slice %arg21[%sub3A_155] : memref<2x!tpu.dma_semaphore, #tpu.memory_space<semaphore_mem>> -> memref<1x!tpu.dma_semaphore, #tpu.memory_space<semaphore_mem>>
        %dma_start3A_169 = tpu.memref_squeeze %dma_start3A_168 : memref<1x!tpu.dma_semaphore, #tpu.memory_space<semaphore_mem>> -> memref<!tpu.dma_semaphore, #tpu.memory_space<semaphore_mem>>
        %dma_start3A_170 = arith.constant 0 : i32
        %dma_start3A_171 = arith.constant 0 : i32
        %dma_start3A_172 = tpu.memref_slice %arg11[%sub3A_155, %dma_start3A_170, %dma_start3A_171] : memref<2x8x128xi32, #tpu.memory_space<vmem>> -> memref<1x8x128xi32, #tpu.memory_space<vmem>>
        %dma_start3A_173 = tpu.memref_squeeze %dma_start3A_172 : memref<1x8x128xi32, #tpu.memory_space<vmem>> -> memref<8x128xi32, #tpu.memory_space<vmem>>
        %dma_start3A_174 = arith.constant 0 : i32
        %dma_start3A_175 = tpu.memref_slice %arg3[%arg0, %add3A_160, %dma_start3A_174] : memref<2x2504x128xi32, #tpu.memory_space<hbm>> -> memref<1x8x128xi32, #tpu.memory_space<hbm>>
        %dma_start3A_176 = tpu.memref_squeeze %dma_start3A_175 : memref<1x8x128xi32, #tpu.memory_space<hbm>> -> memref<8x128xi32, #tpu.memory_space<hbm>>
        tpu.enqueue_dma source(%dma_start3A_176 : memref<8x128xi32, #tpu.memory_space<hbm>>) target(%dma_start3A_173 : memref<8x128xi32, #tpu.memory_space<vmem>>) target_semaphore(%dma_start3A_169 : memref<!tpu.dma_semaphore, #tpu.memory_space<semaphore_mem>>)
        %sub3A_177 = arith.constant 1 : i32
        %sub3A_178 = arith.subi %sub3A_177, %arg0 : i32
        %dma_start3A_179 = arith.constant 0 : i32
        %dma_start3A_180 = arith.constant 0 : i32
        %dma_start3A_181 = tpu.memref_slice %arg12[%sub3A_155, %dma_start3A_179, %dma_start3A_180] : memref<2x8x128xi32, #tpu.memory_space<vmem>> -> memref<1x8x128xi32, #tpu.memory_space<vmem>>
        %dma_start3A_182 = tpu.memref_squeeze %dma_start3A_181 : memref<1x8x128xi32, #tpu.memory_space<vmem>> -> memref<8x128xi32, #tpu.memory_space<vmem>>
        %dma_start3A_183 = arith.constant 0 : i32
        %dma_start3A_184 = tpu.memref_slice %arg3[%sub3A_178, %add3A_160, %dma_start3A_183] : memref<2x2504x128xi32, #tpu.memory_space<hbm>> -> memref<1x8x128xi32, #tpu.memory_space<hbm>>
        %dma_start3A_185 = tpu.memref_squeeze %dma_start3A_184 : memref<1x8x128xi32, #tpu.memory_space<hbm>> -> memref<8x128xi32, #tpu.memory_space<hbm>>
        %dma_start3A_186 = tpu.memref_slice %arg21[%sub3A_155] : memref<2x!tpu.dma_semaphore, #tpu.memory_space<semaphore_mem>> -> memref<1x!tpu.dma_semaphore, #tpu.memory_space<semaphore_mem>>
        %dma_start3A_187 = tpu.memref_squeeze %dma_start3A_186 : memref<1x!tpu.dma_semaphore, #tpu.memory_space<semaphore_mem>> -> memref<!tpu.dma_semaphore, #tpu.memory_space<semaphore_mem>>
        %dma_start3A_188 = arith.constant 0 : i32
        %dma_start3A_189 = arith.constant 0 : i32
        %dma_start3A_190 = tpu.memref_slice %arg12[%sub3A_155, %dma_start3A_188, %dma_start3A_189] : memref<2x8x128xi32, #tpu.memory_space<vmem>> -> memref<1x8x128xi32, #tpu.memory_space<vmem>>
        %dma_start3A_191 = tpu.memref_squeeze %dma_start3A_190 : memref<1x8x128xi32, #tpu.memory_space<vmem>> -> memref<8x128xi32, #tpu.memory_space<vmem>>
        %dma_start3A_192 = arith.constant 0 : i32
        %dma_start3A_193 = tpu.memref_slice %arg3[%sub3A_178, %add3A_160, %dma_start3A_192] : memref<2x2504x128xi32, #tpu.memory_space<hbm>> -> memref<1x8x128xi32, #tpu.memory_space<hbm>>
        %dma_start3A_194 = tpu.memref_squeeze %dma_start3A_193 : memref<1x8x128xi32, #tpu.memory_space<hbm>> -> memref<8x128xi32, #tpu.memory_space<hbm>>
        tpu.enqueue_dma source(%dma_start3A_194 : memref<8x128xi32, #tpu.memory_space<hbm>>) target(%dma_start3A_191 : memref<8x128xi32, #tpu.memory_space<vmem>>) target_semaphore(%dma_start3A_187 : memref<!tpu.dma_semaphore, #tpu.memory_space<semaphore_mem>>)
        %dma_start3A_195 = arith.constant 0 : i32
        %dma_start3A_196 = arith.constant 0 : i32
        %dma_start3A_197 = tpu.memref_slice %arg13[%sub3A_155, %dma_start3A_195, %dma_start3A_196] : memref<2x8x128xi32, #tpu.memory_space<vmem>> -> memref<1x8x128xi32, #tpu.memory_space<vmem>>
        %dma_start3A_198 = tpu.memref_squeeze %dma_start3A_197 : memref<1x8x128xi32, #tpu.memory_space<vmem>> -> memref<8x128xi32, #tpu.memory_space<vmem>>
        %dma_start3A_199 = arith.constant 0 : i32
        %dma_start3A_200 = tpu.memref_slice %arg4[%arg0, %add3A_160, %dma_start3A_199] : memref<2x2504x128xi32, #tpu.memory_space<hbm>> -> memref<1x8x128xi32, #tpu.memory_space<hbm>>
        %dma_start3A_201 = tpu.memref_squeeze %dma_start3A_200 : memref<1x8x128xi32, #tpu.memory_space<hbm>> -> memref<8x128xi32, #tpu.memory_space<hbm>>
        %dma_start3A_202 = tpu.memref_slice %arg21[%sub3A_155] : memref<2x!tpu.dma_semaphore, #tpu.memory_space<semaphore_mem>> -> memref<1x!tpu.dma_semaphore, #tpu.memory_space<semaphore_mem>>
        %dma_start3A_203 = tpu.memref_squeeze %dma_start3A_202 : memref<1x!tpu.dma_semaphore, #tpu.memory_space<semaphore_mem>> -> memref<!tpu.dma_semaphore, #tpu.memory_space<semaphore_mem>>
        %dma_start3A_204 = arith.constant 0 : i32
        %dma_start3A_205 = arith.constant 0 : i32
        %dma_start3A_206 = tpu.memref_slice %arg13[%sub3A_155, %dma_start3A_204, %dma_start3A_205] : memref<2x8x128xi32, #tpu.memory_space<vmem>> -> memref<1x8x128xi32, #tpu.memory_space<vmem>>
        %dma_start3A_207 = tpu.memref_squeeze %dma_start3A_206 : memref<1x8x128xi32, #tpu.memory_space<vmem>> -> memref<8x128xi32, #tpu.memory_space<vmem>>
        %dma_start3A_208 = arith.constant 0 : i32
        %dma_start3A_209 = tpu.memref_slice %arg4[%arg0, %add3A_160, %dma_start3A_208] : memref<2x2504x128xi32, #tpu.memory_space<hbm>> -> memref<1x8x128xi32, #tpu.memory_space<hbm>>
        %dma_start3A_210 = tpu.memref_squeeze %dma_start3A_209 : memref<1x8x128xi32, #tpu.memory_space<hbm>> -> memref<8x128xi32, #tpu.memory_space<hbm>>
        tpu.enqueue_dma source(%dma_start3A_210 : memref<8x128xi32, #tpu.memory_space<hbm>>) target(%dma_start3A_207 : memref<8x128xi32, #tpu.memory_space<vmem>>) target_semaphore(%dma_start3A_203 : memref<!tpu.dma_semaphore, #tpu.memory_space<semaphore_mem>>)
      } else {
      }
      %add3A_137 = arith.constant 1 : i32
      %add3A_138 = arith.addi %scan3A_96, %add3A_137 : i32
      %lt3A_139 = arith.constant 160 : i32
      %lt3A_140 = arith.cmpi slt, %add3A_138, %lt3A_139 : i32
      %add3A_141 = arith.constant 1 : i32
      %add3A_142 = arith.addi %add3A_122, %add3A_141 : i32
      %lt3A_143 = arith.constant 2500 : i32
      %lt3A_144 = arith.cmpi slt, %add3A_142, %lt3A_143 : i32
      %and3A_145 = arith.andi %lt3A_140, %lt3A_144 : i1
      %convert_element_type3A_146 = arith.extui %and3A_145 : i1 to i32
      %cond3A_147 = arith.constant 0 : i32
      %cond3A_148 = arith.cmpi ne, %convert_element_type3A_146, %cond3A_147 : i32
      scf.if %cond3A_148 {
        %sub3A_154 = arith.constant 1 : i32
        %sub3A_155 = arith.subi %sub3A_154, %rem3A_121 : i32
        %gt3A = arith.constant 0 : i32
        %gt3A_156 = arith.cmpi sgt, %scan3A_96, %gt3A : i32
        %convert_element_type3A_157 = arith.extui %gt3A_156 : i1 to i32
        %cond3A_158 = arith.constant 0 : i32
        %cond3A_159 = arith.cmpi ne, %convert_element_type3A_157, %cond3A_158 : i32
        scf.if %cond3A_159 {
          %dma_wait3A_208 = arith.constant 0 : i32
          %dma_wait3A_209 = arith.constant 0 : i32
          %dma_wait3A_210 = tpu.memref_slice %arg14[%sub3A_155, %dma_wait3A_208, %dma_wait3A_209] : memref<2x128x128xf32, #tpu.memory_space<vmem>> -> memref<1x128x128xf32, #tpu.memory_space<vmem>>
          %dma_wait3A_211 = tpu.memref_squeeze %dma_wait3A_210 : memref<1x128x128xf32, #tpu.memory_space<vmem>> -> memref<128x128xf32, #tpu.memory_space<vmem>>
          %dma_wait3A_212 = tpu.memref_slice %arg20[%sub3A_155] : memref<2x!tpu.dma_semaphore, #tpu.memory_space<semaphore_mem>> -> memref<1x!tpu.dma_semaphore, #tpu.memory_space<semaphore_mem>>
          %dma_wait3A_213 = tpu.memref_squeeze %dma_wait3A_212 : memref<1x!tpu.dma_semaphore, #tpu.memory_space<semaphore_mem>> -> memref<!tpu.dma_semaphore, #tpu.memory_space<semaphore_mem>>
          %dma_wait3A_214 = arith.constant 0 : i32
          %dma_wait3A_215 = arith.constant 0 : i32
          %dma_wait3A_216 = tpu.memref_slice %arg14[%sub3A_155, %dma_wait3A_214, %dma_wait3A_215] : memref<2x128x128xf32, #tpu.memory_space<vmem>> -> memref<1x128x128xf32, #tpu.memory_space<vmem>>
          %dma_wait3A_217 = tpu.memref_squeeze %dma_wait3A_216 : memref<1x128x128xf32, #tpu.memory_space<vmem>> -> memref<128x128xf32, #tpu.memory_space<vmem>>
          tpu.wait_dma2 semaphore(%dma_wait3A_213 : memref<!tpu.dma_semaphore, #tpu.memory_space<semaphore_mem>>) src(%arg5 : memref<128x128xf32, #tpu.memory_space<hbm>>) dst(%dma_wait3A_217 : memref<128x128xf32, #tpu.memory_space<vmem>>)
        } else {
        }
        %add3A_160 = arith.constant 1 : i32
        %add3A_161 = arith.addi %scan3A_96, %add3A_160 : i32
        %jit3A_162 = arith.constant 8 : i32
        %div3A_163 = arith.divsi %add3A_161, %jit3A_162 : i32
        %sign3A_164 = arith.constant 0 : i32
        %sign3A_165 = arith.cmpi sgt, %add3A_161, %sign3A_164 : i32
        %sign3A_166 = arith.extui %sign3A_165 : i1 to i32
        %sign3A_167 = arith.constant 0 : i32
        %sign3A_168 = arith.cmpi slt, %add3A_161, %sign3A_167 : i32
        %sign3A_169 = arith.extui %sign3A_168 : i1 to i32
        %sign3A_170 = arith.subi %sign3A_166, %sign3A_169 : i32
        %sign3A_171 = arith.constant 0 : i32
        %sign3A_172 = arith.cmpi sgt, %jit3A_162, %sign3A_171 : i32
        %sign3A_173 = arith.extui %sign3A_172 : i1 to i32
        %sign3A_174 = arith.constant 0 : i32
        %sign3A_175 = arith.cmpi slt, %jit3A_162, %sign3A_174 : i32
        %sign3A_176 = arith.extui %sign3A_175 : i1 to i32
        %sign3A_177 = arith.subi %sign3A_173, %sign3A_176 : i32
        %ne3A_178 = arith.cmpi ne, %sign3A_170, %sign3A_177 : i32
        %rem3A_179 = arith.remsi %add3A_161, %jit3A_162 : i32
        %ne3A_180 = arith.constant 0 : i32
        %ne3A_181 = arith.cmpi ne, %rem3A_179, %ne3A_180 : i32
        %and3A_182 = arith.andi %ne3A_178, %ne3A_181 : i1
        %sub3A_183 = arith.constant 1 : i32
        %sub3A_184 = arith.subi %div3A_163, %sub3A_183 : i32
        %select_n3A_185 = arith.select %and3A_182, %sub3A_184, %div3A_163 : i32
        %mul3A_186 = arith.constant 8 : i32
        %mul3A_187 = arith.muli %select_n3A_185, %mul3A_186 : i32
        %sub3A_188 = arith.subi %add3A_161, %mul3A_187 : i32
        %rem3A_189 = arith.constant 2 : i32
        %rem3A_190 = arith.remsi %select_n3A_185, %rem3A_189 : i32
        %eq3A_191 = arith.constant 0 : i32
        %eq3A_192 = arith.cmpi eq, %sub3A_188, %eq3A_191 : i32
        %convert_element_type3A_193 = arith.extui %eq3A_192 : i1 to i32
        %cond3A_194 = arith.constant 0 : i32
        %cond3A_195 = arith.cmpi ne, %convert_element_type3A_193, %cond3A_194 : i32
        scf.if %cond3A_195 {
          %dma_wait3A_208 = arith.constant 0 : i32
          %dma_wait3A_209 = arith.constant 0 : i32
          %dma_wait3A_210 = tpu.memref_slice %arg11[%rem3A_190, %dma_wait3A_208, %dma_wait3A_209] : memref<2x8x128xi32, #tpu.memory_space<vmem>> -> memref<1x8x128xi32, #tpu.memory_space<vmem>>
          %dma_wait3A_211 = tpu.memref_squeeze %dma_wait3A_210 : memref<1x8x128xi32, #tpu.memory_space<vmem>> -> memref<8x128xi32, #tpu.memory_space<vmem>>
          %dma_wait3A_212 = arith.constant 0 : i32
          %dma_wait3A_213 = arith.constant 0 : i32
          %dma_wait3A_214 = tpu.memref_slice %arg3[%arg0, %dma_wait3A_212, %dma_wait3A_213] : memref<2x2504x128xi32, #tpu.memory_space<hbm>> -> memref<1x8x128xi32, #tpu.memory_space<hbm>>
          %dma_wait3A_215 = tpu.memref_squeeze %dma_wait3A_214 : memref<1x8x128xi32, #tpu.memory_space<hbm>> -> memref<8x128xi32, #tpu.memory_space<hbm>>
          %dma_wait3A_216 = tpu.memref_slice %arg21[%rem3A_190] : memref<2x!tpu.dma_semaphore, #tpu.memory_space<semaphore_mem>> -> memref<1x!tpu.dma_semaphore, #tpu.memory_space<semaphore_mem>>
          %dma_wait3A_217 = tpu.memref_squeeze %dma_wait3A_216 : memref<1x!tpu.dma_semaphore, #tpu.memory_space<semaphore_mem>> -> memref<!tpu.dma_semaphore, #tpu.memory_space<semaphore_mem>>
          %dma_wait3A_218 = arith.constant 0 : i32
          %dma_wait3A_219 = arith.constant 0 : i32
          %dma_wait3A_220 = tpu.memref_slice %arg11[%rem3A_190, %dma_wait3A_218, %dma_wait3A_219] : memref<2x8x128xi32, #tpu.memory_space<vmem>> -> memref<1x8x128xi32, #tpu.memory_space<vmem>>
          %dma_wait3A_221 = tpu.memref_squeeze %dma_wait3A_220 : memref<1x8x128xi32, #tpu.memory_space<vmem>> -> memref<8x128xi32, #tpu.memory_space<vmem>>
          %dma_wait3A_222 = arith.constant 0 : i32
          %dma_wait3A_223 = arith.constant 0 : i32
          %dma_wait3A_224 = tpu.memref_slice %arg3[%arg0, %dma_wait3A_222, %dma_wait3A_223] : memref<2x2504x128xi32, #tpu.memory_space<hbm>> -> memref<1x8x128xi32, #tpu.memory_space<hbm>>
          %dma_wait3A_225 = tpu.memref_squeeze %dma_wait3A_224 : memref<1x8x128xi32, #tpu.memory_space<hbm>> -> memref<8x128xi32, #tpu.memory_space<hbm>>
          tpu.wait_dma2 semaphore(%dma_wait3A_217 : memref<!tpu.dma_semaphore, #tpu.memory_space<semaphore_mem>>) src(%dma_wait3A_225 : memref<8x128xi32, #tpu.memory_space<hbm>>) dst(%dma_wait3A_221 : memref<8x128xi32, #tpu.memory_space<vmem>>)
          %dma_wait3A_226 = arith.constant 0 : i32
          %dma_wait3A_227 = arith.constant 0 : i32
          %dma_wait3A_228 = tpu.memref_slice %arg11[%rem3A_190, %dma_wait3A_226, %dma_wait3A_227] : memref<2x8x128xi32, #tpu.memory_space<vmem>> -> memref<1x8x128xi32, #tpu.memory_space<vmem>>
          %dma_wait3A_229 = tpu.memref_squeeze %dma_wait3A_228 : memref<1x8x128xi32, #tpu.memory_space<vmem>> -> memref<8x128xi32, #tpu.memory_space<vmem>>
          %dma_wait3A_230 = arith.constant 0 : i32
          %dma_wait3A_231 = arith.constant 0 : i32
          %dma_wait3A_232 = tpu.memref_slice %arg3[%arg0, %dma_wait3A_230, %dma_wait3A_231] : memref<2x2504x128xi32, #tpu.memory_space<hbm>> -> memref<1x8x128xi32, #tpu.memory_space<hbm>>
          %dma_wait3A_233 = tpu.memref_squeeze %dma_wait3A_232 : memref<1x8x128xi32, #tpu.memory_space<hbm>> -> memref<8x128xi32, #tpu.memory_space<hbm>>
          %dma_wait3A_234 = tpu.memref_slice %arg21[%rem3A_190] : memref<2x!tpu.dma_semaphore, #tpu.memory_space<semaphore_mem>> -> memref<1x!tpu.dma_semaphore, #tpu.memory_space<semaphore_mem>>
          %dma_wait3A_235 = tpu.memref_squeeze %dma_wait3A_234 : memref<1x!tpu.dma_semaphore, #tpu.memory_space<semaphore_mem>> -> memref<!tpu.dma_semaphore, #tpu.memory_space<semaphore_mem>>
          %dma_wait3A_236 = arith.constant 0 : i32
          %dma_wait3A_237 = arith.constant 0 : i32
          %dma_wait3A_238 = tpu.memref_slice %arg11[%rem3A_190, %dma_wait3A_236, %dma_wait3A_237] : memref<2x8x128xi32, #tpu.memory_space<vmem>> -> memref<1x8x128xi32, #tpu.memory_space<vmem>>
          %dma_wait3A_239 = tpu.memref_squeeze %dma_wait3A_238 : memref<1x8x128xi32, #tpu.memory_space<vmem>> -> memref<8x128xi32, #tpu.memory_space<vmem>>
          %dma_wait3A_240 = arith.constant 0 : i32
          %dma_wait3A_241 = arith.constant 0 : i32
          %dma_wait3A_242 = tpu.memref_slice %arg3[%arg0, %dma_wait3A_240, %dma_wait3A_241] : memref<2x2504x128xi32, #tpu.memory_space<hbm>> -> memref<1x8x128xi32, #tpu.memory_space<hbm>>
          %dma_wait3A_243 = tpu.memref_squeeze %dma_wait3A_242 : memref<1x8x128xi32, #tpu.memory_space<hbm>> -> memref<8x128xi32, #tpu.memory_space<hbm>>
          tpu.wait_dma2 semaphore(%dma_wait3A_235 : memref<!tpu.dma_semaphore, #tpu.memory_space<semaphore_mem>>) src(%dma_wait3A_243 : memref<8x128xi32, #tpu.memory_space<hbm>>) dst(%dma_wait3A_239 : memref<8x128xi32, #tpu.memory_space<vmem>>)
          %dma_wait3A_244 = arith.constant 0 : i32
          %dma_wait3A_245 = arith.constant 0 : i32
          %dma_wait3A_246 = tpu.memref_slice %arg11[%rem3A_190, %dma_wait3A_244, %dma_wait3A_245] : memref<2x8x128xi32, #tpu.memory_space<vmem>> -> memref<1x8x128xi32, #tpu.memory_space<vmem>>
          %dma_wait3A_247 = tpu.memref_squeeze %dma_wait3A_246 : memref<1x8x128xi32, #tpu.memory_space<vmem>> -> memref<8x128xi32, #tpu.memory_space<vmem>>
          %dma_wait3A_248 = arith.constant 0 : i32
          %dma_wait3A_249 = arith.constant 0 : i32
          %dma_wait3A_250 = tpu.memref_slice %arg3[%arg0, %dma_wait3A_248, %dma_wait3A_249] : memref<2x2504x128xi32, #tpu.memory_space<hbm>> -> memref<1x8x128xi32, #tpu.memory_space<hbm>>
          %dma_wait3A_251 = tpu.memref_squeeze %dma_wait3A_250 : memref<1x8x128xi32, #tpu.memory_space<hbm>> -> memref<8x128xi32, #tpu.memory_space<hbm>>
          %dma_wait3A_252 = tpu.memref_slice %arg21[%rem3A_190] : memref<2x!tpu.dma_semaphore, #tpu.memory_space<semaphore_mem>> -> memref<1x!tpu.dma_semaphore, #tpu.memory_space<semaphore_mem>>
          %dma_wait3A_253 = tpu.memref_squeeze %dma_wait3A_252 : memref<1x!tpu.dma_semaphore, #tpu.memory_space<semaphore_mem>> -> memref<!tpu.dma_semaphore, #tpu.memory_space<semaphore_mem>>
          %dma_wait3A_254 = arith.constant 0 : i32
          %dma_wait3A_255 = arith.constant 0 : i32
          %dma_wait3A_256 = tpu.memref_slice %arg11[%rem3A_190, %dma_wait3A_254, %dma_wait3A_255] : memref<2x8x128xi32, #tpu.memory_space<vmem>> -> memref<1x8x128xi32, #tpu.memory_space<vmem>>
          %dma_wait3A_257 = tpu.memref_squeeze %dma_wait3A_256 : memref<1x8x128xi32, #tpu.memory_space<vmem>> -> memref<8x128xi32, #tpu.memory_space<vmem>>
          %dma_wait3A_258 = arith.constant 0 : i32
          %dma_wait3A_259 = arith.constant 0 : i32
          %dma_wait3A_260 = tpu.memref_slice %arg3[%arg0, %dma_wait3A_258, %dma_wait3A_259] : memref<2x2504x128xi32, #tpu.memory_space<hbm>> -> memref<1x8x128xi32, #tpu.memory_space<hbm>>
          %dma_wait3A_261 = tpu.memref_squeeze %dma_wait3A_260 : memref<1x8x128xi32, #tpu.memory_space<hbm>> -> memref<8x128xi32, #tpu.memory_space<hbm>>
          tpu.wait_dma2 semaphore(%dma_wait3A_253 : memref<!tpu.dma_semaphore, #tpu.memory_space<semaphore_mem>>) src(%dma_wait3A_261 : memref<8x128xi32, #tpu.memory_space<hbm>>) dst(%dma_wait3A_257 : memref<8x128xi32, #tpu.memory_space<vmem>>)
        } else {
        }
        %dma_start3A_196 = arith.constant 0 : i32
        %dma_start3A_197 = arith.constant 0 : i32
        %dma_start3A_198 = tpu.memref_slice %arg14[%sub3A_155, %dma_start3A_196, %dma_start3A_197] : memref<2x128x128xf32, #tpu.memory_space<vmem>> -> memref<1x128x128xf32, #tpu.memory_space<vmem>>
        %dma_start3A_199 = tpu.memref_squeeze %dma_start3A_198 : memref<1x128x128xf32, #tpu.memory_space<vmem>> -> memref<128x128xf32, #tpu.memory_space<vmem>>
        %dma_start3A_200 = arith.constant 0 : i32
        %dma_start3A_201 = tpu.memref_slice %arg11[%rem3A_190, %sub3A_188, %dma_start3A_200] : memref<2x8x128xi32, #tpu.memory_space<vmem>> -> memref<1x1x128xi32, #tpu.memory_space<vmem>>
        %dma_start3A_202 = tpu.memref_squeeze %dma_start3A_201 : memref<1x1x128xi32, #tpu.memory_space<vmem>> -> memref<128xi32, #tpu.memory_space<vmem>>
        %dma_start3A_203 = arith.constant 0 : i32
        %dma_start3A_204 = arith.constant 0 : i32
        %dma_start3A_205 = tpu.memref_slice %arg2[%dma_start3A_203, %dma_start3A_204] : memref<10000x128xf32, #tpu.memory_space<hbm>> -> memref<10000x128xf32, #tpu.memory_space<hbm>>
        %dma_start3A_206 = tpu.memref_slice %arg19[%sub3A_155] : memref<2x!tpu.dma_semaphore, #tpu.memory_space<semaphore_mem>> -> memref<1x!tpu.dma_semaphore, #tpu.memory_space<semaphore_mem>>
        %dma_start3A_207 = tpu.memref_squeeze %dma_start3A_206 : memref<1x!tpu.dma_semaphore, #tpu.memory_space<semaphore_mem>> -> memref<!tpu.dma_semaphore, #tpu.memory_space<semaphore_mem>>
        tpu.enqueue_indirect_dma source(%dma_start3A_205 : memref<10000x128xf32, #tpu.memory_space<hbm>>) target(%dma_start3A_199 : memref<128x128xf32, #tpu.memory_space<vmem>>) offsets(%dma_start3A_202 : memref<128xi32, #tpu.memory_space<vmem>>) semaphore(%dma_start3A_207 : memref<!tpu.dma_semaphore, #tpu.memory_space<semaphore_mem>>)
      } else {
      }
      %lt3A_149 = arith.constant 2500 : i32
      %lt3A_150 = arith.cmpi slt, %add3A_122, %lt3A_149 : i32
      %convert_element_type3A_151 = arith.extui %lt3A_150 : i1 to i32
      %cond3A_152 = arith.constant 0 : i32
      %cond3A_153 = arith.cmpi ne, %convert_element_type3A_151, %cond3A_152 : i32
      scf.if %cond3A_153 {
        %dma_wait3A_154 = arith.constant 0 : i32
        %dma_wait3A_155 = arith.constant 0 : i32
        %dma_wait3A_156 = tpu.memref_slice %arg14[%rem3A_121, %dma_wait3A_154, %dma_wait3A_155] : memref<2x128x128xf32, #tpu.memory_space<vmem>> -> memref<1x128x128xf32, #tpu.memory_space<vmem>>
        %dma_wait3A_157 = tpu.memref_squeeze %dma_wait3A_156 : memref<1x128x128xf32, #tpu.memory_space<vmem>> -> memref<128x128xf32, #tpu.memory_space<vmem>>
        %dma_wait3A_158 = arith.constant 0 : i32
        %dma_wait3A_159 = tpu.memref_slice %arg11[%rem3A_119, %sub3A_117, %dma_wait3A_158] : memref<2x8x128xi32, #tpu.memory_space<vmem>> -> memref<1x1x128xi32, #tpu.memory_space<vmem>>
        %dma_wait3A_160 = tpu.memref_squeeze %dma_wait3A_159 : memref<1x1x128xi32, #tpu.memory_space<vmem>> -> memref<128xi32, #tpu.memory_space<vmem>>
        %dma_wait3A_161 = arith.constant 0 : i32
        %dma_wait3A_162 = arith.constant 0 : i32
        %dma_wait3A_163 = tpu.memref_slice %arg2[%dma_wait3A_161, %dma_wait3A_162] : memref<10000x128xf32, #tpu.memory_space<hbm>> -> memref<10000x128xf32, #tpu.memory_space<hbm>>
        %dma_wait3A_164 = tpu.memref_slice %arg19[%rem3A_121] : memref<2x!tpu.dma_semaphore, #tpu.memory_space<semaphore_mem>> -> memref<1x!tpu.dma_semaphore, #tpu.memory_space<semaphore_mem>>
        %dma_wait3A_165 = tpu.memref_squeeze %dma_wait3A_164 : memref<1x!tpu.dma_semaphore, #tpu.memory_space<semaphore_mem>> -> memref<!tpu.dma_semaphore, #tpu.memory_space<semaphore_mem>>
        tpu.wait_indirect_dma semaphore(%dma_wait3A_165 : memref<!tpu.dma_semaphore, #tpu.memory_space<semaphore_mem>>) src(%dma_wait3A_163 : memref<10000x128xf32, #tpu.memory_space<hbm>>) dst(%dma_wait3A_157 : memref<128x128xf32, #tpu.memory_space<vmem>>)
        %dma_start3A_166 = arith.constant 0 : i32
        %dma_start3A_167 = arith.constant 0 : i32
        %dma_start3A_168 = tpu.memref_slice %arg14[%rem3A_121, %dma_start3A_166, %dma_start3A_167] : memref<2x128x128xf32, #tpu.memory_space<vmem>> -> memref<1x128x128xf32, #tpu.memory_space<vmem>>
        %dma_start3A_169 = tpu.memref_squeeze %dma_start3A_168 : memref<1x128x128xf32, #tpu.memory_space<vmem>> -> memref<128x128xf32, #tpu.memory_space<vmem>>
        %dma_start3A_170 = arith.constant 0 : i32
        %dma_start3A_171 = tpu.memref_slice %arg12[%rem3A_119, %sub3A_117, %dma_start3A_170] : memref<2x8x128xi32, #tpu.memory_space<vmem>> -> memref<1x1x128xi32, #tpu.memory_space<vmem>>
        %dma_start3A_172 = tpu.memref_squeeze %dma_start3A_171 : memref<1x1x128xi32, #tpu.memory_space<vmem>> -> memref<128xi32, #tpu.memory_space<vmem>>
        %dma_start3A_173 = arith.constant 0 : i32
        %dma_start3A_174 = arith.constant 0 : i32
        %dma_start3A_175 = tpu.memref_slice %arg17[%dma_start3A_173, %dma_start3A_174] : memref<10000x128xf32, #tpu.memory_space<vmem_shared>> -> memref<10000x128xf32, #tpu.memory_space<vmem_shared>>
        %dma_start3A_176 = tpu.memref_slice %arg20[%rem3A_121] : memref<2x!tpu.dma_semaphore, #tpu.memory_space<semaphore_mem>> -> memref<1x!tpu.dma_semaphore, #tpu.memory_space<semaphore_mem>>
        %dma_start3A_177 = tpu.memref_squeeze %dma_start3A_176 : memref<1x!tpu.dma_semaphore, #tpu.memory_space<semaphore_mem>> -> memref<!tpu.dma_semaphore, #tpu.memory_space<semaphore_mem>>
        tpu.enqueue_indirect_dma source(%dma_start3A_169 : memref<128x128xf32, #tpu.memory_space<vmem>>) target(%dma_start3A_175 : memref<10000x128xf32, #tpu.memory_space<vmem_shared>>) offsets(%dma_start3A_172 : memref<128xi32, #tpu.memory_space<vmem>>) semaphore(%dma_start3A_177 : memref<!tpu.dma_semaphore, #tpu.memory_space<semaphore_mem>>) {add = true}
        %eq3A_178 = arith.constant 0 : i32
        %eq3A_179 = arith.cmpi eq, %arg0, %eq3A_178 : i32
        %convert_element_type3A_180 = arith.extui %eq3A_179 : i1 to i32
        %cond3A_181 = arith.constant 0 : i32
        %cond3A_182 = arith.cmpi ne, %convert_element_type3A_180, %cond3A_181 : i32
        scf.if %cond3A_182 {
          %dma_start3A_188 = arith.constant 0 : i32
          %dma_start3A_189 = tpu.memref_slice %arg13[%rem3A_119, %sub3A_117, %dma_start3A_188] : memref<2x8x128xi32, #tpu.memory_space<vmem>> -> memref<1x1x128xi32, #tpu.memory_space<vmem>>
          %dma_start3A_190 = tpu.memref_squeeze %dma_start3A_189 : memref<1x1x128xi32, #tpu.memory_space<vmem>> -> memref<128xi32, #tpu.memory_space<vmem>>
          %dma_start3A_191 = arith.constant 0 : i32
          %dma_start3A_192 = tpu.memref_slice %arg18[%dma_start3A_191] : memref<160000xf32, #tpu.memory_space<vmem_shared>> -> memref<160000xf32, #tpu.memory_space<vmem_shared>>
          tpu.enqueue_indirect_dma source(%arg15 : memref<128xf32, #tpu.memory_space<vmem>>) target(%dma_start3A_192 : memref<160000xf32, #tpu.memory_space<vmem_shared>>) offsets(%dma_start3A_190 : memref<128xi32, #tpu.memory_space<vmem>>) semaphore(%arg22 : memref<!tpu.dma_semaphore, #tpu.memory_space<semaphore_mem>>) {add = true}
        } else {
        }
        %eq3A_183 = arith.constant 1 : i32
        %eq3A_184 = arith.cmpi eq, %arg0, %eq3A_183 : i32
        %convert_element_type3A_185 = arith.extui %eq3A_184 : i1 to i32
        %cond3A_186 = arith.constant 0 : i32
        %cond3A_187 = arith.cmpi ne, %convert_element_type3A_185, %cond3A_186 : i32
        scf.if %cond3A_187 {
          %dma_start3A_188 = arith.constant 0 : i32
          %dma_start3A_189 = tpu.memref_slice %arg13[%rem3A_119, %sub3A_117, %dma_start3A_188] : memref<2x8x128xi32, #tpu.memory_space<vmem>> -> memref<1x1x128xi32, #tpu.memory_space<vmem>>
          %dma_start3A_190 = tpu.memref_squeeze %dma_start3A_189 : memref<1x1x128xi32, #tpu.memory_space<vmem>> -> memref<128xi32, #tpu.memory_space<vmem>>
          %dma_start3A_191 = arith.constant 0 : i32
          %dma_start3A_192 = tpu.memref_slice %arg18[%dma_start3A_191] : memref<160000xf32, #tpu.memory_space<vmem_shared>> -> memref<160000xf32, #tpu.memory_space<vmem_shared>>
          tpu.enqueue_indirect_dma source(%arg16 : memref<128xf32, #tpu.memory_space<vmem>>) target(%dma_start3A_192 : memref<160000xf32, #tpu.memory_space<vmem_shared>>) offsets(%dma_start3A_190 : memref<128xi32, #tpu.memory_space<vmem>>) semaphore(%arg22 : memref<!tpu.dma_semaphore, #tpu.memory_space<semaphore_mem>>) {add = true}
        } else {
        }
      } else {
      }
    }
    %scan3A_48 = arith.constant 160 : i32
    %dma_wait3A = arith.constant 0 : i32
    %dma_wait3A_49 = arith.constant 0 : i32
    %dma_wait3A_50 = arith.constant 0 : i32
    %dma_wait3A_51 = arith.constant 0 : i32
    %dma_wait3A_52 = tpu.memref_slice %arg14[%dma_wait3A, %dma_wait3A_50, %dma_wait3A_51] : memref<2x128x128xf32, #tpu.memory_space<vmem>> -> memref<1x128x128xf32, #tpu.memory_space<vmem>>
    %dma_wait3A_53 = tpu.memref_squeeze %dma_wait3A_52 : memref<1x128x128xf32, #tpu.memory_space<vmem>> -> memref<128x128xf32, #tpu.memory_space<vmem>>
    %dma_wait3A_54 = tpu.memref_slice %arg20[%dma_wait3A_49] : memref<2x!tpu.dma_semaphore, #tpu.memory_space<semaphore_mem>> -> memref<1x!tpu.dma_semaphore, #tpu.memory_space<semaphore_mem>>
    %dma_wait3A_55 = tpu.memref_squeeze %dma_wait3A_54 : memref<1x!tpu.dma_semaphore, #tpu.memory_space<semaphore_mem>> -> memref<!tpu.dma_semaphore, #tpu.memory_space<semaphore_mem>>
    %dma_wait3A_56 = arith.constant 0 : i32
    %dma_wait3A_57 = arith.constant 0 : i32
    %dma_wait3A_58 = tpu.memref_slice %arg14[%dma_wait3A, %dma_wait3A_56, %dma_wait3A_57] : memref<2x128x128xf32, #tpu.memory_space<vmem>> -> memref<1x128x128xf32, #tpu.memory_space<vmem>>
    %dma_wait3A_59 = tpu.memref_squeeze %dma_wait3A_58 : memref<1x128x128xf32, #tpu.memory_space<vmem>> -> memref<128x128xf32, #tpu.memory_space<vmem>>
    tpu.wait_dma2 semaphore(%dma_wait3A_55 : memref<!tpu.dma_semaphore, #tpu.memory_space<semaphore_mem>>) src(%arg5 : memref<128x128xf32, #tpu.memory_space<hbm>>) dst(%dma_wait3A_59 : memref<128x128xf32, #tpu.memory_space<vmem>>)
    %dma_wait3A_60 = arith.constant 1 : i32
    %dma_wait3A_61 = arith.constant 1 : i32
    %dma_wait3A_62 = arith.constant 0 : i32
    %dma_wait3A_63 = arith.constant 0 : i32
    %dma_wait3A_64 = tpu.memref_slice %arg14[%dma_wait3A_60, %dma_wait3A_62, %dma_wait3A_63] : memref<2x128x128xf32, #tpu.memory_space<vmem>> -> memref<1x128x128xf32, #tpu.memory_space<vmem>>
    %dma_wait3A_65 = tpu.memref_squeeze %dma_wait3A_64 : memref<1x128x128xf32, #tpu.memory_space<vmem>> -> memref<128x128xf32, #tpu.memory_space<vmem>>
    %dma_wait3A_66 = tpu.memref_slice %arg20[%dma_wait3A_61] : memref<2x!tpu.dma_semaphore, #tpu.memory_space<semaphore_mem>> -> memref<1x!tpu.dma_semaphore, #tpu.memory_space<semaphore_mem>>
    %dma_wait3A_67 = tpu.memref_squeeze %dma_wait3A_66 : memref<1x!tpu.dma_semaphore, #tpu.memory_space<semaphore_mem>> -> memref<!tpu.dma_semaphore, #tpu.memory_space<semaphore_mem>>
    %dma_wait3A_68 = arith.constant 0 : i32
    %dma_wait3A_69 = arith.constant 0 : i32
    %dma_wait3A_70 = tpu.memref_slice %arg14[%dma_wait3A_60, %dma_wait3A_68, %dma_wait3A_69] : memref<2x128x128xf32, #tpu.memory_space<vmem>> -> memref<1x128x128xf32, #tpu.memory_space<vmem>>
    %dma_wait3A_71 = tpu.memref_squeeze %dma_wait3A_70 : memref<1x128x128xf32, #tpu.memory_space<vmem>> -> memref<128x128xf32, #tpu.memory_space<vmem>>
    tpu.wait_dma2 semaphore(%dma_wait3A_67 : memref<!tpu.dma_semaphore, #tpu.memory_space<semaphore_mem>>) src(%arg5 : memref<128x128xf32, #tpu.memory_space<hbm>>) dst(%dma_wait3A_71 : memref<128x128xf32, #tpu.memory_space<vmem>>)
    %sub3A_72 = arith.constant 2500 : i32
    %sub3A_73 = arith.subi %sub3A_72, %mul3A_0 : i32
    %jit3A = arith.constant 0 : i32
    %jit3A_74 = arith.constant 160 : i32
    %max3A = arith.maxsi %jit3A, %sub3A_73 : i32
    %min3A = arith.minsi %jit3A_74, %max3A : i32
    %while3A = arith.constant 0 : i32
    %while3A_75 = arith.constant 0 : i32
    %while3A_76 = arith.subi %min3A, %while3A_75 : i32
    %while3A_77 = arith.addi %while3A_75, %while3A_76 : i32
    %while3A_78 = arith.constant 1 : i32
    %while3A_79 = arith.divsi %while3A_76, %while3A_78 : i32
    %while3A_80 = arith.muli %while3A_79, %while3A_78 : i32
    %while3A_81 = arith.addi %while3A_75, %while3A_80 : i32
    %while3A_82 = arith.constant 1 : i32
    scf.for %while3A_96 = %while3A_75 to %while3A_81 step %while3A_82  : i32 {
      tpu.wait_dma2 semaphore(%arg22 : memref<!tpu.dma_semaphore, #tpu.memory_space<semaphore_mem>>) src(%arg7 : memref<128xf32, #tpu.memory_space<hbm>>) dst(%arg15 : memref<128xf32, #tpu.memory_space<vmem>>)
    }
    %while3A_83 = arith.constant 1 : i32
    scf.for %while3A_96 = %while3A_81 to %while3A_77 step %while3A_83  : i32 {
      tpu.wait_dma2 semaphore(%arg22 : memref<!tpu.dma_semaphore, #tpu.memory_space<semaphore_mem>>) src(%arg7 : memref<128xf32, #tpu.memory_space<hbm>>) dst(%arg15 : memref<128xf32, #tpu.memory_space<vmem>>)
    }
    %barrier3A_84 = arith.constant 0 : index
    tpu.barrier barrier_id(%barrier3A_84)
    %mul3A_85 = arith.constant 624 : i32
    %mul3A_86 = arith.muli %arg1, %mul3A_85 : i32
    "tpu.region"() ({
      %run_scoped3A_96 = tpu.sem_alloc : memref<!tpu.dma_semaphore, #tpu.memory_space<semaphore_mem>>
      %dma_start3A_97 = arith.constant 0 : i32
      %dma_start3A_98 = tpu.memref_slice %arg9[%arg0, %mul3A_86, %dma_start3A_97] : memref<2x10000x128xf32, #tpu.memory_space<hbm>> -> memref<1x624x128xf32, #tpu.memory_space<hbm>>
      %dma_start3A_99 = tpu.memref_squeeze %dma_start3A_98 : memref<1x624x128xf32, #tpu.memory_space<hbm>> -> memref<624x128xf32, #tpu.memory_space<hbm>>
      %dma_start3A_100 = arith.constant 0 : i32
      %dma_start3A_101 = tpu.memref_slice %arg17[%mul3A_86, %dma_start3A_100] : memref<10000x128xf32, #tpu.memory_space<vmem_shared>> -> memref<624x128xf32, #tpu.memory_space<vmem_shared>>
      tpu.enqueue_dma source(%dma_start3A_101 : memref<624x128xf32, #tpu.memory_space<vmem_shared>>) target(%dma_start3A_99 : memref<624x128xf32, #tpu.memory_space<hbm>>) target_semaphore(%run_scoped3A_96 : memref<!tpu.dma_semaphore, #tpu.memory_space<semaphore_mem>>)
      %dma_wait3A_102 = arith.constant 0 : i32
      %dma_wait3A_103 = tpu.memref_slice %arg9[%arg0, %mul3A_86, %dma_wait3A_102] : memref<2x10000x128xf32, #tpu.memory_space<hbm>> -> memref<1x624x128xf32, #tpu.memory_space<hbm>>
      %dma_wait3A_104 = tpu.memref_squeeze %dma_wait3A_103 : memref<1x624x128xf32, #tpu.memory_space<hbm>> -> memref<624x128xf32, #tpu.memory_space<hbm>>
      %dma_wait3A_105 = arith.constant 0 : i32
      %dma_wait3A_106 = tpu.memref_slice %arg17[%mul3A_86, %dma_wait3A_105] : memref<10000x128xf32, #tpu.memory_space<vmem_shared>> -> memref<624x128xf32, #tpu.memory_space<vmem_shared>>
      tpu.wait_dma2 semaphore(%run_scoped3A_96 : memref<!tpu.dma_semaphore, #tpu.memory_space<semaphore_mem>>) src(%dma_wait3A_106 : memref<624x128xf32, #tpu.memory_space<vmem_shared>>) dst(%dma_wait3A_104 : memref<624x128xf32, #tpu.memory_space<hbm>>)
      tpu.yield
    }) : () -> ()
    %mul3A_87 = arith.constant 16 : i32
    %mul3A_88 = arith.muli %mul3A_86, %mul3A_87 : i32
    %mul3A_89 = arith.constant 16 : i32
    %mul3A_90 = arith.muli %mul3A_86, %mul3A_89 : i32
    "tpu.region"() ({
      %run_scoped3A_96 = tpu.sem_alloc : memref<!tpu.dma_semaphore, #tpu.memory_space<semaphore_mem>>
      %dma_start3A_97 = tpu.memref_slice %arg10[%arg0, %mul3A_90] : memref<2x160000xf32, #tpu.memory_space<hbm>> -> memref<1x9984xf32, #tpu.memory_space<hbm>>
      %dma_start3A_98 = tpu.memref_squeeze %dma_start3A_97 : memref<1x9984xf32, #tpu.memory_space<hbm>> -> memref<9984xf32, #tpu.memory_space<hbm>>
      %dma_start3A_99 = tpu.memref_slice %arg18[%mul3A_88] : memref<160000xf32, #tpu.memory_space<vmem_shared>> -> memref<9984xf32, #tpu.memory_space<vmem_shared>>
      tpu.enqueue_dma source(%dma_start3A_99 : memref<9984xf32, #tpu.memory_space<vmem_shared>>) target(%dma_start3A_98 : memref<9984xf32, #tpu.memory_space<hbm>>) target_semaphore(%run_scoped3A_96 : memref<!tpu.dma_semaphore, #tpu.memory_space<semaphore_mem>>)
      %dma_wait3A_100 = tpu.memref_slice %arg10[%arg0, %mul3A_90] : memref<2x160000xf32, #tpu.memory_space<hbm>> -> memref<1x9984xf32, #tpu.memory_space<hbm>>
      %dma_wait3A_101 = tpu.memref_squeeze %dma_wait3A_100 : memref<1x9984xf32, #tpu.memory_space<hbm>> -> memref<9984xf32, #tpu.memory_space<hbm>>
      %dma_wait3A_102 = tpu.memref_slice %arg18[%mul3A_88] : memref<160000xf32, #tpu.memory_space<vmem_shared>> -> memref<9984xf32, #tpu.memory_space<vmem_shared>>
      tpu.wait_dma2 semaphore(%run_scoped3A_96 : memref<!tpu.dma_semaphore, #tpu.memory_space<semaphore_mem>>) src(%dma_wait3A_102 : memref<9984xf32, #tpu.memory_space<vmem_shared>>) dst(%dma_wait3A_101 : memref<9984xf32, #tpu.memory_space<hbm>>)
      tpu.yield
    }) : () -> ()
    %eq3A_91 = arith.constant 15 : i32
    %eq3A_92 = arith.cmpi eq, %arg1, %eq3A_91 : i32
    %convert_element_type3A_93 = arith.extui %eq3A_92 : i1 to i32
    %cond3A_94 = arith.constant 0 : i32
    %cond3A_95 = arith.cmpi ne, %convert_element_type3A_93, %cond3A_94 : i32
    scf.if %cond3A_95 {
      "tpu.region"() ({
        %run_scoped3A_96 = tpu.sem_alloc : memref<!tpu.dma_semaphore, #tpu.memory_space<semaphore_mem>>
        %dma_start3A_97 = arith.constant 9984 : i32
        %dma_start3A_98 = arith.constant 0 : i32
        %dma_start3A_99 = tpu.memref_slice %arg9[%arg0, %dma_start3A_97, %dma_start3A_98] : memref<2x10000x128xf32, #tpu.memory_space<hbm>> -> memref<1x16x128xf32, #tpu.memory_space<hbm>>
        %dma_start3A_100 = tpu.memref_squeeze %dma_start3A_99 : memref<1x16x128xf32, #tpu.memory_space<hbm>> -> memref<16x128xf32, #tpu.memory_space<hbm>>
        %dma_start3A_101 = arith.constant 9984 : i32
        %dma_start3A_102 = arith.constant 0 : i32
        %dma_start3A_103 = tpu.memref_slice %arg17[%dma_start3A_101, %dma_start3A_102] : memref<10000x128xf32, #tpu.memory_space<vmem_shared>> -> memref<16x128xf32, #tpu.memory_space<vmem_shared>>
        tpu.enqueue_dma source(%dma_start3A_103 : memref<16x128xf32, #tpu.memory_space<vmem_shared>>) target(%dma_start3A_100 : memref<16x128xf32, #tpu.memory_space<hbm>>) target_semaphore(%run_scoped3A_96 : memref<!tpu.dma_semaphore, #tpu.memory_space<semaphore_mem>>)
        %dma_wait3A_104 = arith.constant 9984 : i32
        %dma_wait3A_105 = arith.constant 0 : i32
        %dma_wait3A_106 = tpu.memref_slice %arg9[%arg0, %dma_wait3A_104, %dma_wait3A_105] : memref<2x10000x128xf32, #tpu.memory_space<hbm>> -> memref<1x16x128xf32, #tpu.memory_space<hbm>>
        %dma_wait3A_107 = tpu.memref_squeeze %dma_wait3A_106 : memref<1x16x128xf32, #tpu.memory_space<hbm>> -> memref<16x128xf32, #tpu.memory_space<hbm>>
        %dma_wait3A_108 = arith.constant 9984 : i32
        %dma_wait3A_109 = arith.constant 0 : i32
        %dma_wait3A_110 = tpu.memref_slice %arg17[%dma_wait3A_108, %dma_wait3A_109] : memref<10000x128xf32, #tpu.memory_space<vmem_shared>> -> memref<16x128xf32, #tpu.memory_space<vmem_shared>>
        tpu.wait_dma2 semaphore(%run_scoped3A_96 : memref<!tpu.dma_semaphore, #tpu.memory_space<semaphore_mem>>) src(%dma_wait3A_110 : memref<16x128xf32, #tpu.memory_space<vmem_shared>>) dst(%dma_wait3A_107 : memref<16x128xf32, #tpu.memory_space<hbm>>)
        tpu.yield
      }) : () -> ()
      "tpu.region"() ({
        %run_scoped3A_96 = tpu.sem_alloc : memref<!tpu.dma_semaphore, #tpu.memory_space<semaphore_mem>>
        %dma_start3A_97 = arith.constant 159744 : i32
        %dma_start3A_98 = tpu.memref_slice %arg10[%arg0, %dma_start3A_97] : memref<2x160000xf32, #tpu.memory_space<hbm>> -> memref<1x256xf32, #tpu.memory_space<hbm>>
        %dma_start3A_99 = tpu.memref_squeeze %dma_start3A_98 : memref<1x256xf32, #tpu.memory_space<hbm>> -> memref<256xf32, #tpu.memory_space<hbm>>
        %dma_start3A_100 = arith.constant 159744 : i32
        %dma_start3A_101 = tpu.memref_slice %arg18[%dma_start3A_100] : memref<160000xf32, #tpu.memory_space<vmem_shared>> -> memref<256xf32, #tpu.memory_space<vmem_shared>>
        tpu.enqueue_dma source(%dma_start3A_101 : memref<256xf32, #tpu.memory_space<vmem_shared>>) target(%dma_start3A_99 : memref<256xf32, #tpu.memory_space<hbm>>) target_semaphore(%run_scoped3A_96 : memref<!tpu.dma_semaphore, #tpu.memory_space<semaphore_mem>>)
        %dma_wait3A_102 = arith.constant 159744 : i32
        %dma_wait3A_103 = tpu.memref_slice %arg10[%arg0, %dma_wait3A_102] : memref<2x160000xf32, #tpu.memory_space<hbm>> -> memref<1x256xf32, #tpu.memory_space<hbm>>
        %dma_wait3A_104 = tpu.memref_squeeze %dma_wait3A_103 : memref<1x256xf32, #tpu.memory_space<hbm>> -> memref<256xf32, #tpu.memory_space<hbm>>
        %dma_wait3A_105 = arith.constant 159744 : i32
        %dma_wait3A_106 = tpu.memref_slice %arg18[%dma_wait3A_105] : memref<160000xf32, #tpu.memory_space<vmem_shared>> -> memref<256xf32, #tpu.memory_space<vmem_shared>>
        tpu.wait_dma2 semaphore(%run_scoped3A_96 : memref<!tpu.dma_semaphore, #tpu.memory_space<semaphore_mem>>) src(%dma_wait3A_106 : memref<256xf32, #tpu.memory_space<vmem_shared>>) dst(%dma_wait3A_104 : memref<256xf32, #tpu.memory_space<hbm>>)
        tpu.yield
      }) : () -> ()
    } else {
    }
    return
  }
}

module attributes {stable_mosaic.version = 14 : i64} {
  func.func @body(%arg0: memref<10000x128xf32, #tpu.memory_space<vmem>>, %arg1: memref<2x2500x128xi32, #tpu.memory_space<vmem>>, %arg2: memref<1x2500x128xi32, #tpu.memory_space<vmem>>, %arg3: memref<1x128xf32, #tpu.memory_space<vmem>>, %arg4: memref<1x128xf32, #tpu.memory_space<vmem>>, %arg5: memref<1x128xf32, #tpu.memory_space<vmem>>, %arg6: memref<10000x128xf32, #tpu.memory_space<vmem>>, %arg7: memref<2x2504x128xi32, #tpu.memory_space<vmem>>, %arg8: memref<2x2504x128xi32, #tpu.memory_space<vmem>>) attributes {dimension_semantics = [], scalar_prefetch = 0 : i64, scratch_operands = 0 : i64, tpu.core_type = #tpu.core_type<tc>} {
    %get3A = arith.constant 0 : index
    %get3A_0 = arith.constant 0 : index
    %get3A_1 = vector.load %arg0[%get3A, %get3A_0] : memref<10000x128xf32, #tpu.memory_space<vmem>>, vector<10000x128xf32>
    %reduce_sum3A = arith.constant dense<0.000000e+00> : vector<128xf32>
    %reduce_sum3A_2 = vector.multi_reduction <add>, %get3A_1, %reduce_sum3A [0] : vector<10000x128xf32> to vector<128xf32>
    %div3A = arith.constant 1.000000e+04 : f32
    %div3A_3 = vector.broadcast %div3A : f32 to vector<128xf32>
    %div3A_4 = arith.divf %reduce_sum3A_2, %div3A_3 : vector<128xf32>
    %broadcast_in_dim3A = vector.shape_cast %div3A_4 : vector<128xf32> to vector<1x128xf32>
    %sub3A = vector.broadcast %broadcast_in_dim3A : vector<1x128xf32> to vector<10000x128xf32>
    %sub3A_5 = arith.subf %get3A_1, %sub3A : vector<10000x128xf32>
    %mul3A = arith.mulf %sub3A_5, %sub3A_5 : vector<10000x128xf32>
    %reduce_sum3A_6 = arith.constant dense<0.000000e+00> : vector<128xf32>
    %reduce_sum3A_7 = vector.multi_reduction <add>, %mul3A, %reduce_sum3A_6 [0] : vector<10000x128xf32> to vector<128xf32>
    %div3A_8 = arith.constant 1.000000e+04 : f32
    %div3A_9 = vector.broadcast %div3A_8 : f32 to vector<128xf32>
    %div3A_10 = arith.divf %reduce_sum3A_7, %div3A_9 : vector<128xf32>
    %get3A_11 = arith.constant 0 : index
    %get3A_12 = arith.constant 0 : index
    %get3A_13 = vector.load %arg4[%get3A_11, %get3A_12] : memref<1x128xf32, #tpu.memory_space<vmem>>, vector<1x128xf32>
    %get3A_14 = vector.shape_cast %get3A_13 : vector<1x128xf32> to vector<128xf32>
    %add3A = arith.constant 9.99999974E-6 : f32
    %add3A_15 = vector.broadcast %add3A : f32 to vector<128xf32>
    %add3A_16 = arith.addf %div3A_10, %add3A_15 : vector<128xf32>
    %sqrt3A = math.sqrt %add3A_16 : vector<128xf32>
    %div3A_17 = arith.divf %get3A_14, %sqrt3A : vector<128xf32>
    %broadcast_in_dim3A_18 = vector.shape_cast %div3A_17 : vector<128xf32> to vector<1x128xf32>
    %mul3A_19 = vector.broadcast %broadcast_in_dim3A_18 : vector<1x128xf32> to vector<10000x128xf32>
    %mul3A_20 = arith.mulf %sub3A_5, %mul3A_19 : vector<10000x128xf32>
    %get3A_21 = arith.constant 0 : index
    %get3A_22 = arith.constant 0 : index
    %get3A_23 = vector.load %arg5[%get3A_21, %get3A_22] : memref<1x128xf32, #tpu.memory_space<vmem>>, vector<1x128xf32>
    %get3A_24 = vector.shape_cast %get3A_23 : vector<1x128xf32> to vector<128xf32>
    %broadcast_in_dim3A_25 = vector.shape_cast %get3A_24 : vector<128xf32> to vector<1x128xf32>
    %add3A_26 = vector.broadcast %broadcast_in_dim3A_25 : vector<1x128xf32> to vector<10000x128xf32>
    %add3A_27 = arith.addf %mul3A_20, %add3A_26 : vector<10000x128xf32>
    %get3A_28 = arith.constant 0 : index
    %get3A_29 = arith.constant 0 : index
    %get3A_30 = vector.load %arg3[%get3A_28, %get3A_29] : memref<1x128xf32, #tpu.memory_space<vmem>>, vector<1x128xf32>
    %get3A_31 = vector.shape_cast %get3A_30 : vector<1x128xf32> to vector<128xf32>
    %broadcast_in_dim3A_32 = vector.shape_cast %get3A_31 : vector<128xf32> to vector<1x128xf32>
    %mul3A_33 = vector.broadcast %broadcast_in_dim3A_32 : vector<1x128xf32> to vector<10000x128xf32>
    %mul3A_34 = arith.mulf %add3A_27, %mul3A_33 : vector<10000x128xf32>
    %swap3A = arith.constant 0 : index
    %swap3A_35 = arith.constant 0 : index
    %swap3A_36 = vector.load %arg6[%swap3A, %swap3A_35] : memref<10000x128xf32, #tpu.memory_space<vmem>>, vector<10000x128xf32>
    tpu.vector_store %arg6[%swap3A, %swap3A_35], %mul3A_34 {strides = array<i32>} : memref<10000x128xf32, #tpu.memory_space<vmem>>, vector<10000x128xf32>,
    %get3A_37 = arith.constant 0 : index
    %get3A_38 = arith.constant 0 : index
    %get3A_39 = arith.constant 0 : index
    %get3A_40 = vector.load %arg1[%get3A_37, %get3A_38, %get3A_39] : memref<2x2500x128xi32, #tpu.memory_space<vmem>>, vector<2x2500x128xi32>
    %get3A_41 = arith.constant 0 : index
    %get3A_42 = arith.constant 0 : index
    %get3A_43 = arith.constant 0 : index
    %get3A_44 = vector.load %arg2[%get3A_41, %get3A_42, %get3A_43] : memref<1x2500x128xi32, #tpu.memory_space<vmem>>, vector<1x2500x128xi32>
    %broadcast_in_dim3A_45 = arith.constant 0 : i32
    %broadcast_in_dim3A_46 = vector.broadcast %broadcast_in_dim3A_45 : i32 to vector<2x4x128xi32>
    %concatenate3A = tpu.concatenate %get3A_40, %broadcast_in_dim3A_46 in 1 : vector<2x2500x128xi32>, vector<2x4x128xi32> -> vector<2x2504x128xi32>
    %swap3A_47 = arith.constant 0 : index
    %swap3A_48 = arith.constant 0 : index
    %swap3A_49 = arith.constant 0 : index
    %swap3A_50 = vector.load %arg7[%swap3A_47, %swap3A_48, %swap3A_49] : memref<2x2504x128xi32, #tpu.memory_space<vmem>>, vector<2x2504x128xi32>
    tpu.vector_store %arg7[%swap3A_47, %swap3A_48, %swap3A_49], %concatenate3A {strides = array<i32>} : memref<2x2504x128xi32, #tpu.memory_space<vmem>>, vector<2x2504x128xi32>,
    %slice3A = vector.extract_strided_slice %get3A_40 {offsets = [1, 0, 0], sizes = [1, 2500, 128], strides = [1, 1, 1]} : vector<2x2500x128xi32> to vector<1x2500x128xi32>
    %slice3A_51 = vector.extract_strided_slice %get3A_40 {offsets = [0, 0, 0], sizes = [1, 2500, 128], strides = [1, 1, 1]} : vector<2x2500x128xi32> to vector<1x2500x128xi32>
    %concatenate3A_52 = tpu.concatenate %slice3A, %slice3A_51 in 0 : vector<1x2500x128xi32>, vector<1x2500x128xi32> -> vector<2x2500x128xi32>
    %mul3A_53 = arith.constant 16 : i32
    %mul3A_54 = vector.broadcast %mul3A_53 : i32 to vector<2x2500x128xi32>
    %mul3A_55 = arith.muli %concatenate3A_52, %mul3A_54 : vector<2x2500x128xi32>
    %add3A_56 = vector.broadcast %get3A_44 : vector<1x2500x128xi32> to vector<2x2500x128xi32>
    %add3A_57 = arith.addi %mul3A_55, %add3A_56 : vector<2x2500x128xi32>
    %concatenate3A_58 = tpu.concatenate %add3A_57, %broadcast_in_dim3A_46 in 1 : vector<2x2500x128xi32>, vector<2x4x128xi32> -> vector<2x2504x128xi32>
    %swap3A_59 = arith.constant 0 : index
    %swap3A_60 = arith.constant 0 : index
    %swap3A_61 = arith.constant 0 : index
    %swap3A_62 = vector.load %arg8[%swap3A_59, %swap3A_60, %swap3A_61] : memref<2x2504x128xi32, #tpu.memory_space<vmem>>, vector<2x2504x128xi32>
    tpu.vector_store %arg8[%swap3A_59, %swap3A_60, %swap3A_61], %concatenate3A_58 {strides = array<i32>} : memref<2x2504x128xi32, #tpu.memory_space<vmem>>, vector<2x2504x128xi32>,
    return
  }
}

module attributes {stable_mosaic.version = 14 : i64} {
  func.func @body(%arg0: i32, %arg1: memref<2000x128xf32, #tpu.memory_space<vmem>>, %arg2: memref<2x2000x128xf32, #tpu.memory_space<vmem>>, %arg3: memref<2x2000x16xf32, #tpu.memory_space<vmem>>, %arg4: memref<16x128xf32, #tpu.memory_space<vmem>>, %arg5: memref<1x128xf32, #tpu.memory_space<vmem>>, %arg6: memref<8x1xi32, #tpu.memory_space<vmem>>, %arg7: memref<2000x128xf32, #tpu.memory_space<vmem>>) attributes {dimension_semantics = [#tpu.dimension_semantics<arbitrary>], iteration_bounds = array<i64: 5>, scalar_prefetch = 0 : i64, scratch_operands = 0 : i64, tpu.core_type = #tpu.core_type<tc>, window_params = [{transform_indices = @transform_0, window_bounds = array<i64: 2000, 128>}, {transform_indices = @transform_1, window_bounds = array<i64: 2, 2000, 128>}, {transform_indices = @transform_2, window_bounds = array<i64: 2, 2000, 16>}, {pipeline_mode = #tpu.pipeline_mode<synchronous>, transform_indices = @transform_3, window_bounds = array<i64: 16, 128>}, {pipeline_mode = #tpu.pipeline_mode<synchronous>, transform_indices = @transform_4, window_bounds = array<i64: 1, 128>}, {pipeline_mode = #tpu.pipeline_mode<synchronous>, transform_indices = @transform_5, window_bounds = array<i64: 8, 1>}, {transform_indices = @transform_6, window_bounds = array<i64: 2000, 128>}]} {
    %get3A = arith.constant 0 : index
    %get3A_0 = arith.constant 0 : index
    %get3A_1 = vector.load %arg4[%get3A, %get3A_0] : memref<16x128xf32, #tpu.memory_space<vmem>>, vector<16x128xf32>
    %get3A_2 = arith.constant 0 : index
    %get3A_3 = arith.constant 0 : index
    %get3A_4 = vector.load %arg5[%get3A_2, %get3A_3] : memref<1x128xf32, #tpu.memory_space<vmem>>, vector<1x128xf32>
    %get3A_5 = vector.shape_cast %get3A_4 : vector<1x128xf32> to vector<128xf32>
    %broadcast_in_dim3A = vector.shape_cast %get3A_5 : vector<128xf32> to vector<1x128xf32>
    %mul3A = vector.broadcast %broadcast_in_dim3A : vector<1x128xf32> to vector<16x128xf32>
    %mul3A_6 = arith.mulf %get3A_1, %mul3A : vector<16x128xf32>
    %get3A_7 = arith.constant 0 : index
    %get3A_8 = arith.constant 0 : index
    %get3A_9 = arith.constant 0 : index
    %get3A_10 = vector.load %arg2[%get3A_7, %get3A_8, %get3A_9] : memref<2x2000x128xf32, #tpu.memory_space<vmem>>, vector<1x2000x128xf32>
    %get3A_11 = vector.shape_cast %get3A_10 : vector<1x2000x128xf32> to vector<2000x128xf32>
    %get3A_12 = arith.constant 1 : index
    %get3A_13 = arith.constant 0 : index
    %get3A_14 = arith.constant 0 : index
    %get3A_15 = vector.load %arg2[%get3A_12, %get3A_13, %get3A_14] : memref<2x2000x128xf32, #tpu.memory_space<vmem>>, vector<1x2000x128xf32>
    %get3A_16 = vector.shape_cast %get3A_15 : vector<1x2000x128xf32> to vector<2000x128xf32>
    %add3A = arith.addf %get3A_11, %get3A_16 : vector<2000x128xf32>
    %get3A_17 = arith.constant 0 : index
    %get3A_18 = arith.constant 0 : index
    %get3A_19 = arith.constant 0 : index
    %get3A_20 = vector.load %arg3[%get3A_17, %get3A_18, %get3A_19] : memref<2x2000x16xf32, #tpu.memory_space<vmem>>, vector<1x2000x16xf32>
    %get3A_21 = vector.shape_cast %get3A_20 : vector<1x2000x16xf32> to vector<2000x16xf32>
    %get3A_22 = arith.constant 1 : index
    %get3A_23 = arith.constant 0 : index
    %get3A_24 = arith.constant 0 : index
    %get3A_25 = vector.load %arg3[%get3A_22, %get3A_23, %get3A_24] : memref<2x2000x16xf32, #tpu.memory_space<vmem>>, vector<1x2000x16xf32>
    %get3A_26 = vector.shape_cast %get3A_25 : vector<1x2000x16xf32> to vector<2000x16xf32>
    %add3A_27 = arith.addf %get3A_21, %get3A_26 : vector<2000x16xf32>
    %dot_general3A = arith.constant dense<0.000000e+00> : vector<2000x128xf32>
    %dot_general3A_28 = tpu.matmul %add3A_27, %mul3A_6, %dot_general3A {dimension_numbers = #tpu.dot_dimension_numbers<[1], [0], [0], [1], [0, 0, 1, 1], [], []>, precision = #tpu.contract_precision<fp32>, transpose_lhs_hint = false} : vector<2000x16xf32>, vector<16x128xf32>, vector<2000x128xf32> -> vector<2000x128xf32>
    %add3A_29 = arith.addf %add3A, %dot_general3A_28 : vector<2000x128xf32>
    %get3A_30 = arith.constant 0 : index
    %get3A_31 = arith.constant 0 : index
    %get3A_32 = vector.load %arg1[%get3A_30, %get3A_31] : memref<2000x128xf32, #tpu.memory_space<vmem>>, vector<2000x128xf32>
    %add3A_33 = arith.addf %add3A_29, %get3A_32 : vector<2000x128xf32>
    %get3A_34 = arith.constant 0 : index
    %get3A_35 = arith.constant 0 : index
    %get3A_36 = vector.load %arg6[%get3A_34, %get3A_35] : memref<8x1xi32, #tpu.memory_space<vmem>>, vector<8x1xi32>
    %iota3A = tpu.iota {dimensions = array<i32: 0>} : vector<2000x1xi32>
    %mul3A_37 = arith.constant 2000 : i32
    %mul3A_38 = arith.muli %arg0, %mul3A_37 : i32
    %add3A_39 = vector.broadcast %mul3A_38 : i32 to vector<2000x1xi32>
    %add3A_40 = arith.addi %iota3A, %add3A_39 : vector<2000x1xi32>
    %broadcast_in_dim3A_41 = arith.constant 1.000000e+00 : f32
    %broadcast_in_dim3A_42 = vector.broadcast %broadcast_in_dim3A_41 : f32 to vector<2000x1xf32>
    %slice3A = vector.extract_strided_slice %get3A_36 {offsets = [0, 0], sizes = [1, 1], strides = [1, 1]} : vector<8x1xi32> to vector<1x1xi32>
    %slice3A_43 = vector.extract_strided_slice %get3A_36 {offsets = [1, 0], sizes = [1, 1], strides = [1, 1]} : vector<8x1xi32> to vector<1x1xi32>
    %ne3A = arith.cmpi ne, %slice3A, %slice3A_43 : vector<1x1xi32>
    %convert_element_type3A = arith.extui %ne3A : vector<1x1xi1> to vector<1x1xi32>
    %convert_element_type3A_44 = arith.sitofp %convert_element_type3A : vector<1x1xi32> to vector<1x1xf32>
    %eq3A = vector.broadcast %slice3A : vector<1x1xi32> to vector<2000x1xi32>
    %eq3A_45 = arith.cmpi eq, %add3A_40, %eq3A : vector<2000x1xi32>
    %convert_element_type3A_46 = arith.extui %eq3A_45 : vector<2000x1xi1> to vector<2000x1xi32>
    %convert_element_type3A_47 = arith.sitofp %convert_element_type3A_46 : vector<2000x1xi32> to vector<2000x1xf32>
    %eq3A_48 = vector.broadcast %slice3A_43 : vector<1x1xi32> to vector<2000x1xi32>
    %eq3A_49 = arith.cmpi eq, %add3A_40, %eq3A_48 : vector<2000x1xi32>
    %convert_element_type3A_50 = arith.extui %eq3A_49 : vector<2000x1xi1> to vector<2000x1xi32>
    %convert_element_type3A_51 = arith.sitofp %convert_element_type3A_50 : vector<2000x1xi32> to vector<2000x1xf32>
    %add3A_52 = arith.addf %convert_element_type3A_47, %convert_element_type3A_51 : vector<2000x1xf32>
    %mul3A_53 = vector.broadcast %convert_element_type3A_44 : vector<1x1xf32> to vector<2000x1xf32>
    %mul3A_54 = arith.mulf %mul3A_53, %add3A_52 : vector<2000x1xf32>
    %add3A_55 = arith.addf %broadcast_in_dim3A_42, %mul3A_54 : vector<2000x1xf32>
    %slice3A_56 = vector.extract_strided_slice %get3A_36 {offsets = [2, 0], sizes = [1, 1], strides = [1, 1]} : vector<8x1xi32> to vector<1x1xi32>
    %slice3A_57 = vector.extract_strided_slice %get3A_36 {offsets = [3, 0], sizes = [1, 1], strides = [1, 1]} : vector<8x1xi32> to vector<1x1xi32>
    %ne3A_58 = arith.cmpi ne, %slice3A_56, %slice3A_57 : vector<1x1xi32>
    %convert_element_type3A_59 = arith.extui %ne3A_58 : vector<1x1xi1> to vector<1x1xi32>
    %convert_element_type3A_60 = arith.sitofp %convert_element_type3A_59 : vector<1x1xi32> to vector<1x1xf32>
    %eq3A_61 = vector.broadcast %slice3A_56 : vector<1x1xi32> to vector<2000x1xi32>
    %eq3A_62 = arith.cmpi eq, %add3A_40, %eq3A_61 : vector<2000x1xi32>
    %convert_element_type3A_63 = arith.extui %eq3A_62 : vector<2000x1xi1> to vector<2000x1xi32>
    %convert_element_type3A_64 = arith.sitofp %convert_element_type3A_63 : vector<2000x1xi32> to vector<2000x1xf32>
    %eq3A_65 = vector.broadcast %slice3A_57 : vector<1x1xi32> to vector<2000x1xi32>
    %eq3A_66 = arith.cmpi eq, %add3A_40, %eq3A_65 : vector<2000x1xi32>
    %convert_element_type3A_67 = arith.extui %eq3A_66 : vector<2000x1xi1> to vector<2000x1xi32>
    %convert_element_type3A_68 = arith.sitofp %convert_element_type3A_67 : vector<2000x1xi32> to vector<2000x1xf32>
    %add3A_69 = arith.addf %convert_element_type3A_64, %convert_element_type3A_68 : vector<2000x1xf32>
    %mul3A_70 = vector.broadcast %convert_element_type3A_60 : vector<1x1xf32> to vector<2000x1xf32>
    %mul3A_71 = arith.mulf %mul3A_70, %add3A_69 : vector<2000x1xf32>
    %add3A_72 = arith.addf %add3A_55, %mul3A_71 : vector<2000x1xf32>
    %slice3A_73 = vector.extract_strided_slice %get3A_36 {offsets = [4, 0], sizes = [1, 1], strides = [1, 1]} : vector<8x1xi32> to vector<1x1xi32>
    %slice3A_74 = vector.extract_strided_slice %get3A_36 {offsets = [5, 0], sizes = [1, 1], strides = [1, 1]} : vector<8x1xi32> to vector<1x1xi32>
    %ne3A_75 = arith.cmpi ne, %slice3A_73, %slice3A_74 : vector<1x1xi32>
    %convert_element_type3A_76 = arith.extui %ne3A_75 : vector<1x1xi1> to vector<1x1xi32>
    %convert_element_type3A_77 = arith.sitofp %convert_element_type3A_76 : vector<1x1xi32> to vector<1x1xf32>
    %eq3A_78 = vector.broadcast %slice3A_73 : vector<1x1xi32> to vector<2000x1xi32>
    %eq3A_79 = arith.cmpi eq, %add3A_40, %eq3A_78 : vector<2000x1xi32>
    %convert_element_type3A_80 = arith.extui %eq3A_79 : vector<2000x1xi1> to vector<2000x1xi32>
    %convert_element_type3A_81 = arith.sitofp %convert_element_type3A_80 : vector<2000x1xi32> to vector<2000x1xf32>
    %eq3A_82 = vector.broadcast %slice3A_74 : vector<1x1xi32> to vector<2000x1xi32>
    %eq3A_83 = arith.cmpi eq, %add3A_40, %eq3A_82 : vector<2000x1xi32>
    %convert_element_type3A_84 = arith.extui %eq3A_83 : vector<2000x1xi1> to vector<2000x1xi32>
    %convert_element_type3A_85 = arith.sitofp %convert_element_type3A_84 : vector<2000x1xi32> to vector<2000x1xf32>
    %add3A_86 = arith.addf %convert_element_type3A_81, %convert_element_type3A_85 : vector<2000x1xf32>
    %mul3A_87 = vector.broadcast %convert_element_type3A_77 : vector<1x1xf32> to vector<2000x1xf32>
    %mul3A_88 = arith.mulf %mul3A_87, %add3A_86 : vector<2000x1xf32>
    %add3A_89 = arith.addf %add3A_72, %mul3A_88 : vector<2000x1xf32>
    %div3A = vector.broadcast %add3A_89 : vector<2000x1xf32> to vector<2000x128xf32>
    %div3A_90 = arith.divf %add3A_33, %div3A : vector<2000x128xf32>
    %swap3A = arith.constant 0 : index
    %swap3A_91 = arith.constant 0 : index
    %swap3A_92 = vector.load %arg7[%swap3A, %swap3A_91] : memref<2000x128xf32, #tpu.memory_space<vmem>>, vector<2000x128xf32>
    tpu.vector_store %arg7[%swap3A, %swap3A_91], %div3A_90 {strides = array<i32>} : memref<2000x128xf32, #tpu.memory_space<vmem>>, vector<2000x128xf32>,
    return
  }
  func.func @transform_0(%arg0: i32) -> (i32, i32) {
    %c0_i32 = arith.constant 0 : i32
    %c0_i32_0 = arith.constant 0 : i32
    return %arg0, %c0_i32 : i32, i32
  }
  func.func @transform_1(%arg0: i32) -> (i32, i32, i32) {
    %c0_i32 = arith.constant 0 : i32
    %c0_i32_0 = arith.constant 0 : i32
    %c0_i32_1 = arith.constant 0 : i32
    return %c0_i32, %arg0, %c0_i32_0 : i32, i32, i32
  }
  func.func @transform_2(%arg0: i32) -> (i32, i32, i32) {
    %c0_i32 = arith.constant 0 : i32
    %c0_i32_0 = arith.constant 0 : i32
    %c0_i32_1 = arith.constant 0 : i32
    return %c0_i32, %arg0, %c0_i32_0 : i32, i32, i32
  }
  func.func @transform_3(%arg0: i32) -> (i32, i32) {
    %c0_i32 = arith.constant 0 : i32
    %c0_i32_0 = arith.constant 0 : i32
    %c0_i32_1 = arith.constant 0 : i32
    return %c0_i32, %c0_i32_0 : i32, i32
  }
  func.func @transform_4(%arg0: i32) -> (i32, i32) {
    %c0_i32 = arith.constant 0 : i32
    %c0_i32_0 = arith.constant 0 : i32
    %c0_i32_1 = arith.constant 0 : i32
    return %c0_i32, %c0_i32_0 : i32, i32
  }
  func.func @transform_5(%arg0: i32) -> (i32, i32) {
    %c0_i32 = arith.constant 0 : i32
    %c0_i32_0 = arith.constant 0 : i32
    %c0_i32_1 = arith.constant 0 : i32
    return %c0_i32, %c0_i32_0 : i32, i32
  }
  func.func @transform_6(%arg0: i32) -> (i32, i32) {
    %c0_i32 = arith.constant 0 : i32
    %c0_i32_0 = arith.constant 0 : i32
    return %arg0, %c0_i32 : i32, i32
  }
}

</mosaic_0001>

<sc_bundles>
// kernel: kernel.5.cloned.1.call-start
scs
__scs_entry_jumppad:
0x0: {  	(pc) =	sbr.rel $0x88, $3  }
0x1: {  	(tag) =	ssettag $0x0;
	lr =	simm.s32 $0x1  }
0x2: {  	[smem:$0x3F9A] =	sst lr;
	_ =	strace $0xD0000000  }
0x3: {  	_ = 	snop  }
0x4: {  	_ = 	snop  }
0x5: {  	_ = 	snop  }
0x6: {  	_ = 	snop  }
0x7: {  	_ = 	snop  }
__scs_overlays_trampoline_lowered:
0x8: {  	[smem:$0x3FA9] =	sst s0  }
0x9: {  	[smem:$0x3FAA] =	sst s1  }
0xa: {  	[smem:$0x3FAB] =	sst s2  }
0xb: {  	[smem:$0x3FAC] =	sst s3  }
0xc: {  	[smem:$0x3FAD] =	sst s4  }
0xd: {  	[smem:$0x3FAE] =	sst s5  }
0xe: {  	[smem:$0x3FAF] =	sst s6  }
0xf: {  	[smem:$0x3FB0] =	sst s7  }
0x10: {  	[smem:$0x3FB1] =	sst s8  }
0x11: {  	[smem:$0x3FB2] =	sst s9;
	s0 =	simm.s32 @!p0 $0x0  }
0x12: {  	s1 =	sld [smem:$0x3F98];
	s0 =	simm.s32 @p0 $0x1  }
0x13: {  	[smem:$0x3FB3] =	sst s0;
	s0 =	simm.s32 @!p1 $0x0  }
0x14: {  	s2 =	sld [smem:$0x3F97];
	s0 =	simm.s32 @p1 $0x1  }
0x15: {  	[smem:$0x3FB4] =	sst s0;
	s0 =	simm.s32 @!p2 $0x0  }
0x16: {  	s3 =	sld [smem:$0x3FDB];
	s0 =	simm.s32 @p2 $0x1  }
0x17: {  	s4 =	simm.s32 $0x1BF5;
	[smem:$0x3FB6] =	sst s0  }
0x18: {  	s0 =	sld [smem:$0x3F99];
	_ =	swait.ge [sflag:s4], $0x0  }
0x19: {  	s7 =	sld [smem:$0x3F9A]  }
0x1a: {  	s8 =	sadd.s32 $0xFFFFE003, lr  }
0x1b: {  	s9 =	sadd.s32 $0xFFFFFEF7, lr;
	s5 =	simm.s32 $0xFFFFFFFF;
	p2 =	slt.u32 s8, $0xFFFFF086  }
0x1c: {  	p1 =	slt.u32 s9, $0xF7A;
	s5 =	simm.s32 @!p2 $0x0  }
0x1d: {  	s5 =	simm.s32 @p1 $0x1;
	p0 =	seq.s32 s7, s2  }
0x1e: {  	s7 =	smul.u32 @!p0 $0xF7A, s2;
	p2 =	seq.s32 @!p0 s5, $0x0  }
0x1f: {  	s9 =	smul.u32 $0xF7A, s1;
	s8 =	simm.s32 @!p0 $0x1BF5;
	p2 =	por !p2, p0  }
0x20: {  	[sflag:s8] =	ssyncset.s32 @!p0 $0xFFFFF086;
	s6 =	sadd.s32 @!p0 s3, s7;
	s7 =	simm.s32 @!p0 $0x108  }
0x21: {  	s3 =	sadd.s32 s3, s9;
	s6 =	sadd.s32 @!p0 $0x88, s6;
	s7 =	simm.s32 @p2 $0x1082  }
0x22: {  	[simem:s7], [sflag:s8] =	dma.local @!p0 [hbm:s6], $0xF7A  }
0x23: {  	s9 =	sor.u32 $0xD0000000, s2;
	s6 =	simm.s32 $0x108;
	_ =	swait.ge @!p0 [sflag:s8], $0x0  }
0x24: {  	s3 =	sadd.s32 $0x88, s3;
	s6 =	simm.s32 @!p1 $0x1082;
	[sflag:s4] =	ssyncset.s32 $0xFFFFF086  }
0x25: {  	[simem:s6], [sflag:s4] =	dma.local [hbm:s3], $0xF7A  }
0x26: {  	[smem:$0x3F9A] =	sst s1;
	(tag) =	ssettag s2;
	_ =	strace s9  }
0x27: {  	s1 =	sld [smem:$0x3FAA]  }
0x28: {  	s2 =	sld [smem:$0x3FAB]  }
0x29: {  	s4 =	sld [smem:$0x3FAD]  }
0x2a: {  	p0 =	seq.s32 s5, $0x0;
	s5 =	sld [smem:$0x3FAE]  }
0x2b: {  	s6 =	sld [smem:$0x3FAF]  }
0x2c: {  	s7 =	sld [smem:$0x3FB0]  }
0x2d: {  	s3 =	simm.s32 $0x108;
	s8 =	sld [smem:$0x3FB1]  }
0x2e: {  	s3 =	simm.s32 @!p0 $0x1082;
	s9 =	sld [smem:$0x3FB2]  }
0x2f: {  	lr =	sadd.s32 s0, s3;
	s0 =	sld [smem:$0x3FA9]  }
0x30: {  	s3 =	sld [smem:$0x3FAC]  }
0x31: {  	[smem:$0x3FB5] =	sst s10  }
0x32: {  	s10 =	sld [smem:$0x3FB3];
	_ =	sdelay $0x3  }
0x33: {  	p0 =	seq.s32 s10, $0x1;
	s10 =	sld [smem:$0x3FB5];
	_ =	sdelay $0x3  }
0x34: {  	[smem:$0x3FB5] =	sst s10  }
0x35: {  	s10 =	sld [smem:$0x3FB4];
	_ =	sdelay $0x3  }
0x36: {  	p1 =	seq.s32 s10, $0x1;
	s10 =	sld [smem:$0x3FB5];
	_ =	sdelay $0x3  }
0x37: {  	[smem:$0x3FB5] =	sst s10  }
0x38: {  	s10 =	sld [smem:$0x3FB6]  }
0x39: {  	_ = 	snop;
	(pc) =	sbr.ind lr, $3  }
0x3a: {  	_ = 	snop  }
0x3b: {  	_ = 	snop  }
0x3c: {  	p2 =	seq.s32 s10, $0x1;
	s10 =	sld [smem:$0x3FB5]  }
0x3d: {  	_ =	shalt  }
0x3e: {  	_ =	shalt  }
0x3f: {  	_ =	shalt  }
0x40: {  	_ =	shalt  }
0x41: {  	_ =	shalt  }
0x42: {  	_ =	shalt  }
0x43: {  	_ =	shalt  }
0x44: {  	_ =	shalt  }
0x45: {  	_ =	shalt  }
0x46: {  	_ =	shalt  }
0x47: {  	_ =	shalt  }
0x48: {  	_ =	shalt  }
0x49: {  	_ =	shalt  }
0x4a: {  	_ =	shalt  }
0x4b: {  	_ =	shalt  }
0x4c: {  	_ =	shalt  }
0x4d: {  	_ =	shalt  }
0x4e: {  	_ =	shalt  }
0x4f: {  	_ =	shalt  }
0x50: {  	_ =	shalt  }
0x51: {  	_ =	shalt  }
0x52: {  	_ =	shalt  }
0x53: {  	_ =	shalt  }
0x54: {  	_ =	shalt  }
0x55: {  	_ =	shalt  }
0x56: {  	_ =	shalt  }
0x57: {  	_ =	shalt  }
0x58: {  	_ =	shalt  }
0x59: {  	_ =	shalt  }
0x5a: {  	_ =	shalt  }
0x5b: {  	_ =	shalt  }
0x5c: {  	_ =	shalt  }
0x5d: {  	_ =	shalt  }
0x5e: {  	_ =	shalt  }
0x5f: {  	_ =	shalt  }
0x60: {  	_ =	shalt  }
0x61: {  	_ =	shalt  }
0x62: {  	_ =	shalt  }
0x63: {  	_ =	shalt  }
0x64: {  	_ =	shalt  }
0x65: {  	_ =	shalt  }
0x66: {  	_ =	shalt  }
0x67: {  	_ =	shalt  }
0x68: {  	_ =	shalt  }
0x69: {  	_ =	shalt  }
0x6a: {  	_ =	shalt  }
0x6b: {  	_ =	shalt  }
0x6c: {  	_ =	shalt  }
0x6d: {  	_ =	shalt  }
0x6e: {  	_ =	shalt  }
0x6f: {  	_ =	shalt  }
0x70: {  	_ =	shalt  }
0x71: {  	_ =	shalt  }
0x72: {  	_ =	shalt  }
0x73: {  	_ =	shalt  }
0x74: {  	_ =	shalt  }
0x75: {  	_ =	shalt  }
0x76: {  	_ =	shalt  }
0x77: {  	_ =	shalt  }
0x78: {  	_ =	shalt  }
0x79: {  	_ =	shalt  }
0x7a: {  	_ =	shalt  }
0x7b: {  	_ =	shalt  }
0x7c: {  	_ =	shalt  }
0x7d: {  	_ =	shalt  }
0x7e: {  	_ =	shalt  }
0x7f: {  	_ =	shalt  }
0x80: {  	_ =	shalt  }
0x81: {  	_ =	shalt  }
0x82: {  	_ =	shalt  }
0x83: {  	_ =	shalt  }
0x84: {  	_ =	shalt  }
0x85: {  	_ =	shalt  }
0x86: {  	_ =	shalt  }
0x87: {  	_ =	shalt  }
.Lfunc_end0:
.L_simem_size_0:
called_computation_lowered:
.L_overlay_start_0:
0x88: {  	s2 =	sld [smem:$0x3FD9]  }
0x89: {  	s3 =	sld [smem:$0x3FFE];
	_ =	sdelay $0x1  }
0x8a: {  	s1 =	srdreg.scid  }
0x8b: {  	s0 =	sand.u32 $0x1, s1  }
0x8c: {  	s17 =	sshll.u32 s0, $0xA;
	s2 =	sadd.s32 s3, s2  }
0x8d: {  	s2 =	sadd.s32 s2, s17  }
0x8e: {  	[smem:$0x3FC1] =	sst s2  }
0x8f: {  	_ = 	snop  }
0x90: {  	s2 =	sld [smem:$0x3FD0];
	(tm) =	ssettm $0x1  }
0x91: {  	s18 =	sld [smem:$0x3FFB];
	_ =	sdelay $0x3  }
0x92: {  	_ =	strace s18  }
0x93: {  	s3 =	sld [smem:$0x3FFC];
	_ =	sdelay $0x3  }
0x94: {  	_ =	strace s3  }
0x95: {  	s3 =	sld [smem:$0x3FFD];
	_ =	sdelay $0x3  }
0x96: {  	_ =	strace s3  }
0x97: {  	_ =	strace $0x8FFFFFFF  }
0x98: {  	s19 =	sld [smem:$0x3FDB];
	_ =	sdelay $0x1  }
0x99: {  	s4 =	simm.s32 $_scs_section_size  }
0x9a: {  	s5 =	simm.s32 $_size__tile_overlayer_lowered;
	s6 =	simm.s32 $_tile_overlayer_lowered  }
0x9b: {  	s22 =	simm.s32 $0x1BFF;
	s21 =	sshll.u32 s6, $0x1;
	s3 =	sadd.s32 s4, s19  }
0x9c: {  	s7 =	simm.s32 $0x0;
	s20 =	sshll.u32 s5, $0x1;
	s5 =	sadd.s32 s21, s3  }
0x9d: {  	[timem:s7], [sflag:s22] =	dma.local [hbm:s5], s20  }
0x9e: {  	_ =	swait.ge [sflag:s22], s20  }
0x9f: {  	s4 =	ssub.s32 $0x0, s20;
	[sflag:s22] =	ssyncset.done $0x0  }
0xa0: {  	[sflag:s22] =	ssyncadd.s32 s4;
	_ =	sdelay $0x1  }
0xa1: {  	s23 =	simm.s32 $0x1B8B  }
0xa2: {  	_ =	swait.ge [sflag:s23], $0x1  }
0xa3: {  	[sflag:s23] =	ssyncset.done $0x0  }
0xa4: {  	s25 =	simm.s32 $0x1B8E;
	s24 =	sld [smem:$0x3FFE];
	[sflag:s23] =	ssyncadd.s32 $0xFFFFFFFF  }
0xa5: {  	s26 =	simm.s32 $execute0_lowered;
	[smem:$0x3FD2] =	sst s25  }
0xa6: {  	s5 =	sshll.u32 s26, $0x1;
	_ =	strace $0x80000046;
	[dreg:$0x1] =	wrdreg $0xFFFFFFFF  }
0xa7: {  	s28 =	simm.s32 $_size_execute0_lowered;
	s3 =	sadd.s32 s3, s5;
	[dreg:$0x0] =	wrdreg $0x0  }
0xa8: {  	s5 =	sshll.u32 s28, $0x1;
	[dreg:$0x2] =	wrdreg s3  }
0xa9: {  	[dreg:$0x3] =	wrdreg s5  }
0xaa: {  	[dreg:$0x4] =	wrdreg $0xC0  }
0xab: {  	_ =	task [dreg:s7], $0x5FFFF  }
0xac: {  	[dreg:$0x1] =	wrdreg $0xFFFFFFFF  }
0xad: {  	[dreg:$0x0] =	wrdreg $0x60  }
0xae: {  	[dreg:$0x2] =	wrdreg s2  }
0xaf: {  	[dreg:$0x3] =	wrdreg s24  }
0xb0: {  	[dreg:$0x4] =	wrdreg $0x99000  }
0xb1: {  	[dreg:$0x5] =	wrdreg $0x1D1800  }
0xb2: {  	[dreg:$0x6] =	wrdreg $0x9  }
0xb3: {  	_ =	task.clear_ibuf [dreg:s7], $0x7FFFF;
	_ =	strace $0x90000046  }
0xb4: {  	s29 =	simm.s32 $0x9;
	_ =	strace $0x80000048  }
0xb5: {  	_ =	swait.ge [sflag:s29], $0x1  }
0xb6: {  	[sflag:s29] =	ssyncadd.s32 $0xFFFFFFFF  }
0xb7: {  	_ =	strace $0x90000048  }
0xb8: {  	_ =	sfence  }
0xb9: {  	s30 =	sld [smem:$0x0];
	_ =	sdelay $0x2  }
0xba: {  	s31 =	sshll.u32 s1, $0xD;
	s1 =	sshrl.u32 s1, $0x2  }
0xbb: {  	s3 =	sand.u32 $0x4000, s31;
	s1 =	sadd.s32 s1, s30  }
0xbc: {  	s0 =	sor.u32 s3, s0;
	s1 =	sshll.u32 s1, $0x11  }
0xbd: {  	s0 =	sor.u32 s1, s0  }
0xbe: {  	s0 =	sadd.s32 $0x8F2B, s0  }
0xbf: {  	[sflag:s0] =	ssyncadd.remote.s32 $0x1  }
0xc0: {  	_ =	sfence.sel $0xFFFF  }
0xc1: {  	[dreg:$0x0] =	wrdreg $0xFFFFFFFF;
	(pc) =	sbr.abs _section_cstart, $3  }
0xc2: {  	[dreg:$0x1] =	wrdreg $0xFFFFFFFF  }
0xc3: {  	_ =	task.clear_ibuf [dreg:s7], $0x2FFFF;
	_ =	strace $0x9FFFFFFF  }
0xc4: {  	(tm) =	ssettm $0x7FFFFFFF  }
0xc5: {  	_ =	shalt  }
tec
execute0_lowered:
.L_overlay_start_1:
0x0: {  	(tag) =	ssettag $0x1  }
0x1: {  	s1 =	rddreg [dreg:$0x0]  }
0x2: {  	s0 =	rddreg [dreg:$0x1]  }
0x3: {  	s2 =	rddreg [dreg:$0x2]  }
0x4: {  	s3 =	rddreg [dreg:$0x3];
	s4 =	simm.s32 $0x0;
	s19 =	stileid.u32  }
0x5: {  	s8 =	srdreg.scid;
	[smem:$0x7FF] =	sst s4;
	s5 =	sadd.s32 $0x2A00, s0  }
0x6: {  	s6 =	sadd.s32 $0x16400, s0;
	s7 =	sadd.s32 $0x2A200, s0;
	s9 =	sadd.s32 $0x2AA00, s0  }
0x7: {  	s8 =	sand.u32 $0x1, s8;
	s21 =	smul.u32 $0x4E000, s19;
	s10 =	sadd.s32 $0x2A000, s0  }
0x8: {  	s22 =	sadd.s32 $0x29E00, s0;
	s12 =	smul.u32 $0x5000, s19;
	s14 =	sadd.s32 $0x39800, s0  }
0x9: {  	s17 =	smul.u32 $0x13800, s19;
	_ =	strace $0x80000047;
	[dreg:$0x5] =	wrdreg s7  }
0xa: {  	s0 =	sadd.s32 $0x2FA00, s0;
	s18 =	smul.u32 $0x4E00, s19;
	[dreg:$0x6] =	wrdreg s9  }
0xb: {  	s28 =	smul.u32 $0x9C00, s19;
	p0 =	seq.s32 s19, $0x0;
	[dreg:$0x7] =	wrdreg s10  }
0xc: {  	p2 =	sne.s32 s19, $0xF;
	s7 =	smul.u32 $0xA0, s19;
	[dreg:$0x8] =	wrdreg s22  }
0xd: {  	s23 =	smul.u32 $0x4E400, s8;
	s11 =	ssub.s32 $0x2, s8;
	s13 =	sxor.u32 $0x1, s8  }
0xe: {  	s16 =	smul.u32 $0x138800, s8;
	s25 =	sshll.u32 s8, $0x7;
	p1 =	seq.s32 s8, $0x1  }
0xf: {  	s8 =	sshll.u32 s8, $0x4;
	s15 =	sshrl.u32 s11, $0x1;
	s13 =	smul.u32 $0x4E400, s13  }
0x10: {  	s9 =	sshrl.u32 s21, $0x2;
	s15 =	ssub.s32 s11, s15;
	s10 =	sadd.s32 s12, s23  }
0x11: {  	s11 =	sadd.s32 s9, s2;
	s17 =	sadd.s32 s17, s16;
	s16 =	sshrl.u32 s16, $0x3  }
0x12: {  	s24 =	sshrl.u32 s10, $0x3;
	s12 =	sadd.s32 s12, s13;
	s13 =	sor.u32 s25, s18  }
0x13: {  	s17 =	sshrl.u32 s17, $0x3;
	s10 =	sadd.s32 $0x400, s10;
	s25 =	smax.u32 s15, $0x1  }
0x14: {  	s29 =	sadd.s32 $0x8000, s11;
	s30 =	sadd.s32 $0xC000, s11;
	s31 =	sadd.s32 $0x10000, s11  }
0x15: {  	s20 =	sadd.s32 s5, s24;
	s26 =	sshrl.u32 s12, $0x3;
	s17 =	sadd.s32 s14, s17  }
0x16: {  	s13 =	sshrl.u32 s13, $0x3;
	s14 =	sadd.s32 s14, s16;
	[dreg:$0x13] =	wrdreg s25  }
0x17: {  	s9 =	sadd.s32 s6, s24;
	s10 =	sshrl.u32 s10, $0x3;
	[dreg:$0x9] =	wrdreg s20  }
0x18: {  	s18 =	sadd.s32 s5, s26;
	[dreg:$0xb] =	wrdreg s17;
	s13 =	sadd.s32 s0, s13  }
0x19: {  	s0 =	sadd.s32 s8, s0;
	s17 =	ssub.s32 $0x9C4, s7;
	[dreg:$0xd] =	wrdreg s9  }
0x1a: {  	s20 =	sadd.s32 $0x400, s12;
	s21 =	sadd.s32 $0x27000, s14;
	s23 =	sadd.s32 s10, s6  }
0x1b: {  	s24 =	sadd.s32 s10, s5;
	s6 =	simm.s32 $0x1800;
	[dreg:$0xa] =	wrdreg s18  }
0x1c: {  	s10 =	simm.s32 $0x4;
	s12 =	simm.s32 $0x7;
	[dreg:$0xc] =	wrdreg s13  }
0x1d: {  	s17 =	smin.u32 s17, $0xA0;
	s18 =	sshrl.u32 s28, $0x2;
	[dreg:$0xe] =	wrdreg s21  }
0x1e: {  	s9 =	sshrl.u32 s20, $0x3;
	s0 =	sadd.s32 $0x9C00, s0;
	[dreg:$0x11] =	wrdreg s23  }
0x1f: {  	[dreg:$0x12] =	wrdreg s24;
	s23 =	simm.s32 $0x9880;
	s28 =	sadd.s32 $0x4000, s11  }
0x20: {  	s13 =	simm.s32 $0x0;
	s8 =	sadd.s32 s18, s3;
	[dreg:$0xf] =	wrdreg s0  }
0x21: {  	s22 =	sadd.s32 s9, s5;
	s23 =	simm.s32 @!p1 $0x9800;
	p1 =	sne.s32 @!p0 s19, $0xF  }
0x22: {  	s0 =	sadd.s32 $0x27000, s3;
	[dreg:$0x16] =	wrdreg s28;
	s5 =	simm.s32 $0x8  }
0x23: {  	s9 =	simm.s32 $0x3;
	[dreg:$0x10] =	wrdreg s22;
	s26 =	sshrl.u32 s8, $0x3  }
0x24: {  	p1 =	por p1, p0;
	s0 =	sshrl.u32 @!p2 s0, $0x3;
	[dreg:$0x14] =	wrdreg s26  }
0x25: {  	s8 =	simm.s32 $0x80;
	[dreg:$0x15] =	wrdreg s0;
	s0 =	sadd.s32 $0x138000, s2  }
.LBB2_1:
0x26: {  	s14 =	rddreg [dreg:$0x7];
	s15 =	simm.s32 $0x9800  }
0x27: {  	[tilespmem:s15], [sflag:$0x8] =	stream.linear.gather [hbm4b:s14+s4], $0x80, $0x38;
	[tilespmem:$0x1F890] =	vst v63  }
0x28: {  	_ =	swait.ge [sflag:s5], $0x80  }
0x29: {  	[sflag:s5] =	ssyncset.done $0x0  }
0x2a: {  	s19 =	simm.s32 $0x9880;
	s18 =	rddreg [dreg:$0x8];
	[sflag:s5] =	ssyncadd.s32 $0xFFFFFF80  }
0x2b: {  	[tilespmem:s19], [sflag:$0x8] =	stream.linear.gather [hbm4b:s18+s4], $0x80, $0x38;
	[tilespmem:$0x1F890] =	vst v63  }
0x2c: {  	_ =	swait.ge [sflag:s5], $0x80  }
0x2d: {  	[sflag:s5] =	ssyncset.done $0x0  }
0x2e: {  	s20 =	rddreg [dreg:$0x5];
	[sflag:s5] =	ssyncadd.s32 $0xFFFFFF80  }
0x2f: {  	[tilespmem:s6], [sflag:$0x8] =	stream.linear.gather [hbm4b:s20+s4], $0x4000, $0x38;
	[tilespmem:$0x1F890] =	vst v63  }
0x30: {  	_ =	swait.ge [sflag:s5], $0x4000  }
0x31: {  	[sflag:s5] =	ssyncset.done $0x0  }
0x32: {  	[sflag:s5] =	ssyncadd.s32 $0xFFFFC000  }
0x33: {  	[spmem:s11] =	stream.linear.scatter [tilespmem:s6], [sflag:$0x8], $0x4000, $0x38;
	[tilespmem:$0x1F890] =	vst v63  }
0x34: {  	_ =	swait.ge [sflag:s5], $0x4000  }
0x35: {  	[sflag:s5] =	ssyncset.done $0x0  }
0x36: {  	s21 =	rddreg [dreg:$0x16];
	[sflag:s5] =	ssyncadd.s32 $0xFFFFC000  }
0x37: {  	[spmem:s21] =	stream.linear.scatter [tilespmem:s6], [sflag:$0x8], $0x4000, $0x38;
	[tilespmem:$0x1F890] =	vst v63  }
0x38: {  	_ =	swait.ge [sflag:s5], $0x4000  }
0x39: {  	[sflag:s5] =	ssyncset.done $0x0  }
0x3a: {  	[sflag:s5] =	ssyncadd.s32 $0xFFFFC000  }
0x3b: {  	[spmem:s29] =	stream.linear.scatter [tilespmem:s6], [sflag:$0x8], $0x4000, $0x38;
	[tilespmem:$0x1F890] =	vst v63  }
0x3c: {  	_ =	swait.ge [sflag:s5], $0x4000  }
0x3d: {  	[sflag:s5] =	ssyncset.done $0x0  }
0x3e: {  	[sflag:s5] =	ssyncadd.s32 $0xFFFFC000  }
0x3f: {  	[spmem:s30] =	stream.linear.scatter [tilespmem:s6], [sflag:$0x8], $0x4000, $0x38;
	[tilespmem:$0x1F890] =	vst v63  }
0x40: {  	_ =	swait.ge [sflag:s5], $0x4000  }
0x41: {  	[sflag:s5] =	ssyncset.done $0x0  }
0x42: {  	[sflag:s5] =	ssyncadd.s32 $0xFFFFC000  }
0x43: {  	[spmem:s31] =	stream.linear.scatter [tilespmem:s6], [sflag:$0x8], $0x3800, $0x38;
	[tilespmem:$0x1F890] =	vst v63  }
0x44: {  	_ =	swait.ge [sflag:s5], $0x3800  }
0x45: {  	s14 =	sshrl.u32 @p0 s3, $0x3;
	[sflag:s5] =	ssyncset.done $0x0  }
0x46: {  	s15 =	simm.s32 @p0 $0x1C08;
	s16 =	rddreg [dreg:$0x6];
	[sflag:s5] =	ssyncadd.s32 $0xFFFFC800  }
0x47: {  	[spmem:s14], [sflag:s15] =	dma.local @p0 [hbm:s16], $0x4E20  }
0x48: {  	s14 =	simm.s32 @p0 $0x8  }
0x49: {  	_ =	swait.ge @p0 [sflag:s14], $0x4E20  }
0x4a: {  	[sflag:s14] =	ssyncset.done @p0 $0x0  }
0x4b: {  	[sflag:s14] =	ssyncadd.s32 @p0 $0xFFFFB1E0;
	s14 =	simm.s32 @!p1 $0x1800  }
0x4c: {  	[spmem:s0] =	stream.linear.scatter @!p1 [tilespmem:s14], [sflag:$0x8], $0x800, $0x38;
	[tilespmem:$0x1F890] =	vst v63  }
0x4d: {  	s14 =	simm.s32 @!p1 $0x8  }
0x4e: {  	_ =	swait.ge @!p1 [sflag:s14], $0x800  }
0x4f: {  	[sflag:s14] =	ssyncset.done @!p1 $0x0  }
0x50: {  	[sflag:s14] =	ssyncadd.s32 @!p1 $0xFFFFF800  }
0x51: {  	[bflag:$0x0] =	sbarrier.arrive $0xFFFF  }
0x52: {  	s22 =	rddreg [dreg:$0x9]  }
0x53: {  	[tilespmem:s4], [sflag:$0x8] =	stream.linear.gather [hbm4b:s22+s4], $0x400, $0x38;
	[tilespmem:$0x1F890] =	vst v63  }
0x54: {  	_ =	swait.ge [sflag:s5], $0x400  }
0x55: {  	[sflag:s5] =	ssyncset.done $0x0  }
0x56: {  	s25 =	simm.s32 $0x800;
	s24 =	rddreg [dreg:$0xa];
	[sflag:s5] =	ssyncadd.s32 $0xFFFFFC00  }
0x57: {  	[tilespmem:s25], [sflag:$0x8] =	stream.linear.gather [hbm4b:s24+s4], $0x400, $0x38;
	[tilespmem:$0x1F890] =	vst v63  }
0x58: {  	_ =	swait.ge [sflag:s5], $0x400  }
0x59: {  	[sflag:s5] =	ssyncset.done $0x0  }
0x5a: {  	s28 =	simm.s32 $0x1000;
	s26 =	rddreg [dreg:$0xd];
	[sflag:s5] =	ssyncadd.s32 $0xFFFFFC00  }
0x5b: {  	[tilespmem:s28], [sflag:$0x8] =	stream.linear.gather [hbm4b:s26+s4], $0x400, $0x38;
	[tilespmem:$0x1F890] =	vst v63  }
.Ltmp0:
0x5c: {  	_ =	swait.ge [sflag:s5], $0x400;
	(pc) =	sbr.rel .LBB2_2-.Ltmp0, $4  }
0x5d: {  	s19 =	simm.s32 $0x0;
	s22 =	rddreg [dreg:$0x12]  }
0x5e: {  	s15 =	simm.s32 $0x0;
	[sflag:s5] =	ssyncset.done $0x0;
	s21 =	rddreg [dreg:$0x11]  }
0x5f: {  	s14 =	simm.s32 $0x200;
	s20 =	rddreg [dreg:$0x10];
	[sflag:s5] =	ssyncadd.s32 $0xFFFFFC00  }
0x60: {  	[tilespmem:s6], [sflag:$0x1] =	stream.indirect.gather [hbm4b:s1+s8], $0x80, s4, s8, $0xb8;
	[tilespmem:$0x1F890] =	vst v63  }
.LBB2_3:
0x61: {  	p3 =	seq.s32 s19, $0x0;
	s19 =	sxor.u32 $0x1, s16  }
0x62: {  	s25 =	sadd.s32 @!p3 $0x3, s19;
	s26 =	sand.u32 @!p3 $0x7, s24  }
0x63: {  	s28 =	sshrl.u32 @!p3 s24, $0x3;
	_ =	swait.ge @!p3 [sflag:s25], $0x4000;
	p4 =	sne.s32 @!p3 s26, $0x0  }
0x64: {  	s26 =	sand.u32 @!p3 $0x1, s28;
	[sflag:s25] =	ssyncset.done @!p3 $0x0;
	p4 =	por p4, p3  }
0x65: {  	[sflag:s25] =	ssyncadd.s32 @!p3 $0xFFFFC000;
	s25 =	sadd.s32 @!p4 $0x5, s26  }
0x66: {  	_ =	swait.ge @!p4 [sflag:s25], $0x400  }
0x67: {  	[sflag:s25] =	ssyncset.done @!p4 $0x0  }
0x68: {  	[sflag:s25] =	ssyncadd.s32 @!p4 $0xFFFFFC00  }
0x69: {  	_ =	swait.ge @!p4 [sflag:s25], $0x400  }
0x6a: {  	[sflag:s25] =	ssyncset.done @!p4 $0x0  }
0x6b: {  	[sflag:s25] =	ssyncadd.s32 @!p4 $0xFFFFFC00  }
0x6c: {  	_ =	swait.ge @!p4 [sflag:s25], $0x400  }
0x6d: {  	[sflag:s25] =	ssyncset.done @!p4 $0x0  }
0x6e: {  	s26 =	simm.s32 @p3 $0x0;
	[sflag:s25] =	ssyncadd.s32 @!p4 $0xFFFFFC00;
	s25 =	sand.u32 $0xE00, s14  }
0x6f: {  	s28 =	sshll.u32 s19, $0xE;
	s26 =	sshll.u32 s26, $0xA;
	s25 =	sshrl.u32 s25, $0x2  }
0x70: {  	s19 =	sadd.s32 $0x1, s19;
	s28 =	sor.u32 $0x1800, s28;
	s25 =	sor.u32 s25, s26  }
0x71: {  	[tilespmem:s28], [sflag:s19] =	stream.indirect.gather [hbm4b:s1+s8], $0x80, s25, s8, $0xb8;
	[tilespmem:$0x1F890] =	vst v63  }
.LBB2_5:
0x72: {  	s19 =	sshll.u32 s16, $0xE;
	s25 =	sadd.s32 $0x1, s16  }
0x73: {  	s18 =	sshll.u32 s18, $0xA;
	s26 =	sand.u32 $0x380, s15;
	_ =	swait.ge [sflag:s25], $0x4000  }
0x74: {  	s19 =	sor.u32 $0x1800, s19;
	s18 =	sor.u32 s26, s18;
	[sflag:s25] =	ssyncset.done $0x0  }
0x75: {  	s26 =	sadd.s32 $0x3, s16;
	s28 =	sor.u32 $0x800, s18;
	[sflag:s25] =	ssyncadd.s32 $0xFFFFC000  }
0x76: {  	[spmem:s2] =	stream.indirect.scatter.add.f32 [tilespmem:s19], [sflag:s26], $0x80, s28, s8, $0xb8;
	[tilespmem:$0x1F890] =	vst v63  }
0x77: {  	s28 =	sor.u32 $0x1000, s18  }
0x78: {  	[spmem:s3] =	stream.indirect.scatter.add.f32 [tilespmem:s23], [sflag:$0x7], $0x1, s28, s8, $0xb8;
	[tilespmem:$0x1F890] =	vst v63  }
.LBB2_6:
0x79: {  	p3 =	sne.s32 s24, $0xA0  }
.Ltmp1:
0x7a: {  	_ = 	snop;
	(pc) =	sbr.rel @!p3 .LBB2_7-.Ltmp1, $3  }
0x7b: {  	_ =	sdelay $0x1  }
0x7c: {  	s20 =	sadd.s32 $0x10, s20;
	s21 =	sadd.s32 $0x10, s21;
	s22 =	sadd.s32 $0x10, s22  }
0x7d: {  	s14 =	sadd.s32 $0x200, s14;
	s15 =	sadd.s32 $0x80, s15;
	s19 =	smov.u32 s24  }
.LBB2_2:
0x7e: {  	s16 =	sand.u32 $0x7, s19  }
0x7f: {  	p3 =	sne.s32 s16, $0x0  }
0x80: {  	p4 =	sgt.u32 @!p3 s19, $0x97  }
0x81: {  	s25 =	sadd.s32 s19, s7;
	p5 =	por p4, p3  }
0x82: {  	p5 =	sgt.u32 @!p5 s25, $0x9BB  }
0x83: {  	s28 =	sshrl.u32 s19, $0x3;
	p4 =	por @!p3 p5, p4  }
0x84: {  	s18 =	sand.u32 $0x1, s28;
	p3 =	por p4, p3  }
0x85: {  	s16 =	sxor.u32 @!p3 $0x1, s18  }
0x86: {  	s26 =	simm.s32 @!p3 $0x0;
	s24 =	sadd.s32 @!p3 $0x5, s16;
	s16 =	sshll.u32 @!p3 s16, $0xA  }
0x87: {  	[tilespmem:s16], [sflag:s24] =	stream.linear.gather @!p3 [hbm4b:s22+s26], $0x400, $0x38;
	[tilespmem:$0x1F890] =	vst v63  }
0x88: {  	s28 =	sor.u32 @!p3 $0x800, s16  }
0x89: {  	[tilespmem:s28], [sflag:s24] =	stream.linear.gather @!p3 [hbm4b:s20+s26], $0x400, $0x38;
	[tilespmem:$0x1F890] =	vst v63  }
0x8a: {  	s16 =	sor.u32 @!p3 $0x1000, s16  }
0x8b: {  	[tilespmem:s16], [sflag:s24] =	stream.linear.gather @!p3 [hbm4b:s21+s26], $0x400, $0x38;
	[tilespmem:$0x1F890] =	vst v63  }
0x8c: {  	p3 =	seq.s32 s19, $0x9F  }
0x8d: {  	p4 =	sgt.u32 @!p3 s25, $0x9C2  }
0x8e: {  	p3 =	por p3, p4  }
.Ltmp2:
0x8f: {  	_ = 	snop;
	(pc) =	sbr.rel @!p3 .LBB2_3-.Ltmp2, $2  }
0x90: {  	_ =	sdelay $0x2  }
0x91: {  	s16 =	sand.u32 $0x1, s19;
	s24 =	sadd.s32 $0x1, s19  }
0x92: {  	p3 =	sgt.u32 s25, $0x9C3  }
.Ltmp3:
0x93: {  	_ = 	snop;
	(pc) =	sbr.rel @p3 .LBB2_6-.Ltmp3, $4  }
.Ltmp4:
0x94: {  	_ = 	snop;
	(pc) =	sbr.rel @!p3 .LBB2_5-.Ltmp4, $4  }
0x95: {  	_ = 	snop  }
0x96: {  	_ = 	snop  }
0x97: {  	_ = 	snop  }
0x98: {  	_ = 	snop  }
.LBB2_7:
0x99: {  	_ =	swait.ge [sflag:s9], $0x4000  }
0x9a: {  	[sflag:s9] =	ssyncset.done $0x0  }
0x9b: {  	p3 =	sne.s32 s17, $0x1;
	[sflag:s9] =	ssyncadd.s32 $0xFFFFC000  }
.Ltmp5:
0x9c: {  	_ =	swait.ge [sflag:s10], $0x4000;
	(pc) =	sbr.rel @!p3 .LBB2_9-.Ltmp5, $4  }
0x9d: {  	[sflag:s10] =	ssyncset.done $0x0  }
0x9e: {  	[sflag:s10] =	ssyncadd.s32 $0xFFFFC000  }
0x9f: {  	_ =	swait.ge [sflag:s12], $0x80  }
0xa0: {  	s14 =	sadd.s32 $0xFFFFFFFF, s17;
	[sflag:s12] =	ssyncset.done $0x0  }
.LBB2_8:
0xa1: {  	p3 =	sne.s32 s14, $0x1;
	s14 =	sadd.s32 $0xFFFFFFFF, s14;
	[sflag:s12] =	ssyncadd.s32 $0xFFFFFF80  }
.Ltmp6:
0xa2: {  	(pc) =	sbr.rel @p3 .LBB2_8-.Ltmp6, $3  }
0xa3: {  	_ =	sdelay $0x1  }
0xa4: {  	_ =	swait.ge [sflag:s12], $0x80  }
0xa5: {  	[sflag:s12] =	ssyncset.done $0x0  }
.LBB2_9:
0xa6: {  	[sflag:s12] =	ssyncadd.s32 $0xFFFFFF80;
	s14 =	stileid.u32  }
0xa7: {  	s14 =	sshll.u32 s14, $0x6;
	[bflag:$0x0] =	sbarrier.arrive $0xFFFF  }
0xa8: {  	s15 =	sshrl.u32 s11, $0x3;
	s14 =	sor.u32 $0x1C08, s14;
	s16 =	rddreg [dreg:$0xb]  }
0xa9: {  	[hbm:s16], [sflag:s14] =	dma.local [spmem:s15], $0x2700  }
0xaa: {  	s18 =	simm.s32 $0x1;
	_ =	swait.ge [sflag:s5], $0x2700  }
0xab: {  	s19 =	simm.s32 $0x20;
	[sflag:s5] =	ssyncset.done $0x0;
	s25 =	rddreg [dreg:$0xc]  }
0xac: {  	s20 =	simm.s32 $0x10;
	s26 =	rddreg [dreg:$0x14];
	[sflag:s5] =	ssyncadd.s32 $0xFFFFD900  }
0xad: {  	[hbm:s25@s19], [sflag:s14] =	dma.strided [spmem:s26@s20], $0x4E0, s18, $0x10   }
0xae: {  	_ =	swait.ge [sflag:s5], $0x4E0  }
0xaf: {  	[sflag:s5] =	ssyncset.done $0x0  }
0xb0: {  	s15 =	sshrl.u32 @!p2 s0, $0x3;
	s16 =	rddreg [dreg:$0xe];
	[sflag:s5] =	ssyncadd.s32 $0xFFFFFB20  }
0xb1: {  	[hbm:s16], [sflag:s14] =	dma.local @!p2 [spmem:s15], $0x100  }
0xb2: {  	s15 =	simm.s32 @!p2 $0x8  }
0xb3: {  	s18 =	simm.s32 @!p2 $0x20;
	_ =	swait.ge @!p2 [sflag:s15], $0x100  }
0xb4: {  	s19 =	simm.s32 @!p2 $0x10;
	[sflag:s15] =	ssyncset.done @!p2 $0x0;
	s20 =	rddreg [dreg:$0xf]  }
0xb5: {  	s16 =	simm.s32 @!p2 $0x1;
	s21 =	rddreg [dreg:$0x15];
	[sflag:s15] =	ssyncadd.s32 @!p2 $0xFFFFFF00  }
0xb6: {  	[hbm:s20@s18], [sflag:s14] =	dma.strided @!p2 [spmem:s21@s19], $0x20, s16, $0x10   }
0xb7: {  	_ =	swait.ge @!p2 [sflag:s15], $0x20  }
0xb8: {  	s13 =	sadd.s32 $0x1, s13;
	s28 =	rddreg [dreg:$0x13]  }
0xb9: {  	p3 =	sne.s32 s13, s28  }
.Ltmp7:
0xba: {  	_ = 	snop;
	(pc) =	sbr.rel @p3 .LBB2_1-.Ltmp7, $3  }
0xbb: {  	_ =	sdelay $0x1  }
0xbc: {  	[sflag:s15] =	ssyncset.done @!p2 $0x0  }
0xbd: {  	[sflag:s15] =	ssyncadd.s32 @!p2 $0xFFFFFFE0  }
0xbe: {  	_ =	sfence.sel $0x180000  }
0xbf: {  	[bflag:$0x0] =	sbarrier.arrive $0xFFFF  }
0xc0: {  	_ =	strace $0x90000047  }
0xc1: {  	s0 =	stileid.u32;
	[bflag:$0x2] =	sbarrier.arrive $0xFFFF  }
0xc2: {  	p0 =	sne.s32 s0, $0x0;
	s0 =	rddreg [dreg:$0x4]  }
0xc3: {  	s0 =	sadd.s32 @!p0 $0x100000, s0  }
0xc4: {  	[sflag:s0] =	ssyncadd.tile.s32 @!p0 $0x1;
	_ =	shalt  }
.Lfunc_end2:
_tile_overlayer_lowered:
.L_overlay_start_2:
0xc5: {  	(tag) =	ssettag $0x2  }
0xc6: {  	s0 =	rddreg [dreg:$0x0];
	s2 =	stileid.u32  }
0xc7: {  	s1 =	rddreg [dreg:$0x1];
	p0 =	sne.s32 s2, $0x0  }
0xc8: {  	s3 =	rddreg [dreg:$0x2];
	[bflag:$0x3] =	sbarrier.arrive $0xFFFF;
	s2 =	simm.s32 @!p0 $0x1C08  }
0xc9: {  	[timem:s3], [sflag:s2] =	dma.local @!p0 [hbm:s0], s1  }
0xca: {  	s0 =	simm.s32 @!p0 $0x8  }
0xcb: {  	_ =	swait.ge @!p0 [sflag:s0], s1  }
0xcc: {  	s1 =	ssub.s32 @!p0 $0x0, s1;
	[sflag:s0] =	ssyncset.done @!p0 $0x0  }
0xcd: {  	[sflag:s0] =	ssyncadd.s32 @!p0 s1  }
0xce: {  	[bflag:$0x3] =	sbarrier.arrive $0xFFFF  }
0xcf: {  	_ =	shalt  }

</sc_bundles>
